<compile_context>
chip_gen: v7x
topology: tpu7x:2x2x1
jax: 0.10.2.dev20260603
libtpu: 0.0.44.dev20260713+nightly
codegen_flags: <defaults>
</compile_context>

<pallas_src>
import functools

import jax
import jax.numpy as jnp
from jax import lax
from jax.experimental import pallas as pl
from jax.experimental.pallas import tpu as pltpu
from jax.experimental.pallas import tpu_sc as plsc

N0 = 262144
N1 = 16384
N2 = 1024
E0 = 262144
E1 = 16384
D = 128
H = 64
NC = 2
NS = 16
G = 128

_mesh = lambda: plsc.VectorSubcoreMesh(
    core_axis_name="c", subcore_axis_name="s", num_cores=NC, num_subcores=NS)
_SC_PARAMS = pltpu.CompilerParams(use_tc_tiling_on_sc=False)


_L0_ROWS = E0 // G // NS
_L0_CH = 32
_NBUF = 4


def _l0_agg_body(x2, src, dst, ones, z64, z16, s2_out, cnt_out,
                 srcbuf, dstbuf, rowbuf, onesbuf, acc, cntacc,
                 gsem0, gsem1, gsem2, gsem3, ssem0, ssem1, ssem2, ssem3):
    c = lax.axis_index("c")
    s = lax.axis_index("s")
    base = s * _L0_ROWS
    gsems = (gsem0, gsem1, gsem2, gsem3)
    ssems = (ssem0, ssem1, ssem2, ssem3)
    pltpu.sync_copy(ones, onesbuf)
    stripe = N1 // NS
    pltpu.sync_copy(z64, acc.at[pl.ds(s * stripe, stripe)])
    pltpu.sync_copy(z16, cntacc.at[pl.ds(s * stripe, stripe)])
    plsc.subcore_barrier()

    def chunk(k, carry):
        pltpu.sync_copy(src.at[pl.ds(base + k * _L0_CH, _L0_CH)], srcbuf)
        pltpu.sync_copy(dst.at[pl.ds(base + k * _L0_CH, _L0_CH)], dstbuf)

        def idx_body(r, cc):
            for j in range(G // 16):
                sl = pl.ds(j * 16, 16)
                srcbuf[r, sl] = srcbuf[r, sl] * 2 + c
            return cc

        lax.fori_loop(0, _L0_CH, idx_body, 0)

        for b in range(_NBUF):
            pltpu.async_copy(x2.at[srcbuf.at[b]], rowbuf.at[b], gsems[b])

        def body(g, cc):
            for b in range(_NBUF):
                r = g * _NBUF + b
                pltpu.make_async_copy(
                    x2.at[pl.ds(0, G)], rowbuf.at[b], gsems[b]).wait()
                pltpu.sync_copy(rowbuf.at[b], acc.at[dstbuf.at[r]], add=True)

                @pl.when(c == b % 2)
                def _():
                    pltpu.sync_copy(onesbuf, cntacc.at[dstbuf.at[r]],
                                    add=True)

                @pl.when(r + _NBUF < _L0_CH)
                def _():
                    pltpu.async_copy(
                        x2.at[srcbuf.at[r + _NBUF]], rowbuf.at[b], gsems[b])

            return cc

        lax.fori_loop(0, _L0_CH // _NBUF, body, 0)
        return carry

    lax.fori_loop(0, _L0_ROWS // _L0_CH, chunk, 0)
    plsc.subcore_barrier()
    pltpu.sync_copy(acc.at[pl.ds(s * stripe, stripe)],
                    s2_out.at[c, pl.ds(s * stripe, stripe)])
    pltpu.sync_copy(cntacc.at[pl.ds(s * stripe, stripe)],
                    cnt_out.at[c, pl.ds(s * stripe, stripe)])


def _l0_agg(x2, src, dst, ones, z64, z16):
    f = functools.partial(
        pl.kernel,
        out_type=(jax.ShapeDtypeStruct((NC, N1, H), jnp.float32),
                  jax.ShapeDtypeStruct((NC, N1, 16), jnp.float32)),
        mesh=_mesh(),
        scratch_types=[
            pltpu.VMEM((_L0_CH, G), jnp.int32),
            pltpu.VMEM((_L0_CH, G), jnp.int32),
            pltpu.VMEM((_NBUF, G, H), jnp.float32),
            pltpu.VMEM((G, 16), jnp.float32),
            pltpu.VMEM_SHARED((N1, H), jnp.float32),
            pltpu.VMEM_SHARED((N1, 16), jnp.float32),
            pltpu.SemaphoreType.DMA,
            pltpu.SemaphoreType.DMA,
            pltpu.SemaphoreType.DMA,
            pltpu.SemaphoreType.DMA,
            pltpu.SemaphoreType.DMA,
            pltpu.SemaphoreType.DMA,
            pltpu.SemaphoreType.DMA,
            pltpu.SemaphoreType.DMA,
        ],
        compiler_params=_SC_PARAMS,
    )(_l0_agg_body)
    return f(x2, src, dst, ones, z64, z16)



_B0 = 2048


def _l0_dense_body(s2_ref, cnt_ref, xd_ref, wl_ref, wr_ref, b_ref, out_ref):
    cnt = cnt_ref[0][:, 0:1] + cnt_ref[1][:, 0:1]
    inv = 1.0 / jnp.maximum(cnt, 1.0)
    wl = wl_ref[...]
    acc = jnp.dot(s2_ref[0] * inv, wl[:H], preferred_element_type=jnp.float32)
    acc += jnp.dot(s2_ref[1] * inv, wl[H:], preferred_element_type=jnp.float32)
    acc += jnp.dot(xd_ref[...], wr_ref[...], preferred_element_type=jnp.float32)
    out_ref[...] = jnp.maximum(acc + b_ref[...], 0.0)


def _l0_dense(s2, cnt, x_dst, W_l, W_r, b):
    grid = N1 // _B0
    return pl.pallas_call(
        _l0_dense_body,
        grid=(grid,),
        in_specs=[
            pl.BlockSpec((NC, _B0, H), lambda i: (0, i, 0)),
            pl.BlockSpec((NC, _B0, 16), lambda i: (0, i, 0)),
            pl.BlockSpec((_B0, D), lambda i: (i, 0)),
            pl.BlockSpec((D, D), lambda i: (0, 0)),
            pl.BlockSpec((D, D), lambda i: (0, 0)),
            pl.BlockSpec((1, D), lambda i: (0, 0)),
        ],
        out_specs=pl.BlockSpec((_B0, D), lambda i: (i, 0)),
        out_shape=jax.ShapeDtypeStruct((N1, D), jnp.float32),
    )(s2, cnt, x_dst, W_l, W_r, b)



_L1_ROWS = E1 // G // (NC * NS)


def _l1_agg_body(h, src, dst, ones, z128, z16c, s1_out, cnt_out,
                 srcbuf, dstbuf, rowbuf, onesbuf, acc, cntacc, sem):
    c = lax.axis_index("c")
    s = lax.axis_index("s")
    w = s * NC + c
    pltpu.sync_copy(src.at[pl.ds(w * _L1_ROWS, _L1_ROWS)], srcbuf)
    pltpu.sync_copy(dst.at[pl.ds(w * _L1_ROWS, _L1_ROWS)], dstbuf)
    pltpu.sync_copy(ones, onesbuf)
    stripe = N2 // NS
    pltpu.sync_copy(z128, acc.at[pl.ds(s * stripe, stripe)])
    pltpu.sync_copy(z16c, cntacc.at[pl.ds(s * stripe, stripe)])
    plsc.subcore_barrier()
    for r in range(_L1_ROWS):
        pltpu.async_copy(h.at[srcbuf.at[r]], rowbuf, sem).wait()
        pltpu.sync_copy(rowbuf, acc.at[dstbuf.at[r]], add=True)
        pltpu.sync_copy(onesbuf, cntacc.at[dstbuf.at[r]], add=True)
    plsc.subcore_barrier()
    pltpu.sync_copy(acc.at[pl.ds(s * stripe, stripe)],
                    s1_out.at[c, pl.ds(s * stripe, stripe)])
    pltpu.sync_copy(cntacc.at[pl.ds(s * stripe, stripe)],
                    cnt_out.at[c, pl.ds(s * stripe, stripe)])


def _l1_agg(h, src, dst, ones, z128, z16c):
    f = functools.partial(
        pl.kernel,
        out_type=(jax.ShapeDtypeStruct((NC, N2, D), jnp.float32),
                  jax.ShapeDtypeStruct((NC, N2, 16), jnp.float32)),
        mesh=_mesh(),
        scratch_types=[
            pltpu.VMEM((_L1_ROWS, G), jnp.int32),
            pltpu.VMEM((_L1_ROWS, G), jnp.int32),
            pltpu.VMEM((G, D), jnp.float32),
            pltpu.VMEM((G, 16), jnp.float32),
            pltpu.VMEM_SHARED((N2, D), jnp.float32),
            pltpu.VMEM_SHARED((N2, 16), jnp.float32),
            pltpu.SemaphoreType.DMA,
        ],
        compiler_params=_SC_PARAMS,
    )(_l1_agg_body)
    return f(h, src, dst, ones, z128, z16c)



def _l1_dense_body(s1_ref, cnt_ref, hd_ref, wl_ref, wr_ref, b_ref, out_ref):
    summed = s1_ref[0] + s1_ref[1]
    cnt = cnt_ref[0][:, 0:1] + cnt_ref[1][:, 0:1]
    mean = summed / jnp.maximum(cnt, 1.0)
    o = jnp.dot(mean, wl_ref[...], preferred_element_type=jnp.float32)
    o += jnp.dot(hd_ref[...], wr_ref[...], preferred_element_type=jnp.float32)
    o += b_ref[...]
    m = jnp.max(o, axis=-1, keepdims=True)
    e = jnp.exp(o - m)
    lse = jnp.log(jnp.sum(e, axis=-1, keepdims=True))
    out_ref[...] = o - m - lse


def _l1_dense(s1, cnt1, h_dst, W_l, W_r, b):
    return pl.pallas_call(
        _l1_dense_body,
        out_shape=jax.ShapeDtypeStruct((N2, D), jnp.float32),
    )(s1, cnt1, h_dst, W_l, W_r, b)



def kernel(x, edge_index_0, edge_index_1, W_l0, b_l0, W_r0, W_l1, b_l1, W_r1):
    x2 = x.reshape(2 * N0, H)
    src0 = edge_index_0[0].astype(jnp.int32).reshape(E0 // G, G)
    dst0 = edge_index_0[1].astype(jnp.int32).reshape(E0 // G, G)
    src1 = edge_index_1[0].astype(jnp.int32).reshape(E1 // G, G)
    dst1 = edge_index_1[1].astype(jnp.int32).reshape(E1 // G, G)
    ones = jnp.ones((G, 16), jnp.float32)
    z64 = jnp.zeros((N1 // NS, H), jnp.float32)
    z16 = jnp.zeros((N1 // NS, 16), jnp.float32)
    z128 = jnp.zeros((N2 // NS, D), jnp.float32)
    z16c = jnp.zeros((N2 // NS, 16), jnp.float32)

    s2, cnt0 = _l0_agg(x2, src0, dst0, ones, z64, z16)
    h = _l0_dense(s2, cnt0, x[:N1], W_l0, W_r0, b_l0.reshape(1, D))
    s1, cnt1 = _l1_agg(h, src1, dst1, ones, z128, z16c)
    return _l1_dense(s1, cnt1, h[:N2], W_l1, W_r1, b_l1.reshape(1, D))

# --- scband reference (transcript-rebuilt; emitter-appended) ---
"""Pipeline reference for scband-py-gsagemodel-18073222381929 (READ-ONLY COPY).

The authoritative reference and input builder live on the scoring server;
editing this copy changes nothing except your own understanding.
"""

import jax, jax.numpy as jnp
import numpy as np

N0 = 262144  # hop-2 src nodes
N1 = 16384   # hop-1 nodes (dst of layer 0, src of layer 1)
N2 = 1024    # final target nodes
E0 = 262144  # edges layer 0
E1 = 16384   # edges layer 1
D = 128      # in = hidden = out channels


def setup_inputs(seed: int = 0) -> dict:
    key = jax.random.key(seed)
    ks = jax.random.split(key, 12)
    x = jax.random.normal(ks[0], (N0, D), dtype=jnp.float32)
    # edge_index rows: [0]=src node id (< n_src), [1]=dst node id (< n_dst)
    src0 = jax.random.randint(ks[1], (E0,), 0, N0)
    dst0 = jax.random.randint(ks[2], (E0,), 0, N1)
    edge_index_0 = jnp.stack([src0, dst0], axis=0)
    src1 = jax.random.randint(ks[3], (E1,), 0, N1)
    dst1 = jax.random.randint(ks[4], (E1,), 0, N2)
    edge_index_1 = jnp.stack([src1, dst1], axis=0)
    # SAGEConv params: lin_l (applied to aggregated neighbors, with bias),
    # lin_r (applied to root/target, no bias) -- PyG defaults.
    W_l0 = jax.random.normal(ks[5], (D, D), dtype=jnp.float32) * (1.0 / np.sqrt(D))
    b_l0 = jnp.zeros((D,), dtype=jnp.float32)
    W_r0 = jax.random.normal(ks[6], (D, D), dtype=jnp.float32) * (1.0 / np.sqrt(D))
    W_l1 = jax.random.normal(ks[7], (D, D), dtype=jnp.float32) * (1.0 / np.sqrt(D))
    b_l1 = jnp.zeros((D,), dtype=jnp.float32)
    W_r1 = jax.random.normal(ks[8], (D, D), dtype=jnp.float32) * (1.0 / np.sqrt(D))
    return {"x": x, "edge_index_0": edge_index_0, "edge_index_1": edge_index_1,
            "W_l0": W_l0, "b_l0": b_l0, "W_r0": W_r0,
            "W_l1": W_l1, "b_l1": b_l1, "W_r1": W_r1}


def _sage_conv(x_src, x_dst, edge_index, n_dst, W_l, b_l, W_r):
    # mean aggregation over incoming edges (bipartite), PyG SAGEConv semantics
    msgs = jnp.take(x_src, edge_index[0], axis=0)
    summed = jax.ops.segment_sum(msgs, edge_index[1], num_segments=n_dst)
    cnt = jax.ops.segment_sum(jnp.ones((edge_index.shape[1],), jnp.float32),
                              edge_index[1], num_segments=n_dst)
    mean = summed / jnp.clip(cnt, 1.0)[:, None]
    return mean @ W_l + b_l + x_dst @ W_r


def reference(x, edge_index_0, edge_index_1, W_l0, b_l0, W_r0, W_l1, b_l1, W_r1):
    # layer 0: (x, x[:N1]) bipartite SAGE conv
    x_target = x[:N1]
    h = _sage_conv(x, x_target, edge_index_0, N1, W_l0, b_l0, W_r0)
    h = jax.nn.relu(h)  # dropout p=0.5 is identity in eval mode
    # layer 1
    h_target = h[:N2]
    out = _sage_conv(h, h_target, edge_index_1, N2, W_l1, b_l1, W_r1)
    return jax.nn.log_softmax(out, axis=-1)

if __name__ == "__main__":
    import jax
    _d = setup_inputs()
    print(jax.jit(kernel)(*tuple(_d.values())))

</pallas_src>

<mosaic_0001>
#map = affine_map<(d0, d1) -> (0, 0)>
#map1 = affine_map<(d0, d1) -> (0, 0, 0)>
module attributes {stable_mosaic.version = 14 : i64} {
  func.func @_l0_agg_body(%arg0: i32, %arg1: i32, %arg2: memref<524288x64xf32, #tpu.memory_space<hbm>>, %arg3: memref<2048x128xi32, #tpu.memory_space<hbm>>, %arg4: memref<2048x128xi32, #tpu.memory_space<hbm>>, %arg5: memref<128x16xf32, #tpu.memory_space<hbm>>, %arg6: memref<1024x64xf32, #tpu.memory_space<hbm>>, %arg7: memref<1024x16xf32, #tpu.memory_space<hbm>>, %arg8: memref<2x16384x64xf32, #tpu.memory_space<hbm>>, %arg9: memref<2x16384x16xf32, #tpu.memory_space<hbm>>, %arg10: memref<32x128xi32, #tpu.memory_space<vmem>>, %arg11: memref<32x128xi32, #tpu.memory_space<vmem>>, %arg12: memref<4x128x64xf32, #tpu.memory_space<vmem>>, %arg13: memref<128x16xf32, #tpu.memory_space<vmem>>, %arg14: memref<16384x64xf32, #tpu.memory_space<vmem_shared>>, %arg15: memref<16384x16xf32, #tpu.memory_space<vmem_shared>>, %arg16: memref<!tpu.dma_semaphore, #tpu.memory_space<semaphore_mem>>, %arg17: memref<!tpu.dma_semaphore, #tpu.memory_space<semaphore_mem>>, %arg18: memref<!tpu.dma_semaphore, #tpu.memory_space<semaphore_mem>>, %arg19: memref<!tpu.dma_semaphore, #tpu.memory_space<semaphore_mem>>, %arg20: memref<!tpu.dma_semaphore, #tpu.memory_space<semaphore_mem>>, %arg21: memref<!tpu.dma_semaphore, #tpu.memory_space<semaphore_mem>>, %arg22: memref<!tpu.dma_semaphore, #tpu.memory_space<semaphore_mem>>, %arg23: memref<!tpu.dma_semaphore, #tpu.memory_space<semaphore_mem>>) attributes {dimension_semantics = [#tpu.dimension_semantics<core_parallel>, #tpu.dimension_semantics<subcore_parallel>], iteration_bounds = array<i64: 2, 16>, scalar_prefetch = 0 : i64, scratch_operands = 14 : i64, tpu.core_type = #tpu.core_type<sc_vector_subcore>, window_params = [{transform_indices = #map}, {transform_indices = #map}, {transform_indices = #map}, {transform_indices = #map}, {transform_indices = #map}, {transform_indices = #map}, {transform_indices = #map1}, {transform_indices = #map1}]} {
    %mul3A = arith.constant 128 : i32
    %mul3A_0 = arith.muli %arg1, %mul3A : i32
    "tpu.region"() ({
      %run_scoped3A = tpu.sem_alloc : memref<!tpu.dma_semaphore, #tpu.memory_space<semaphore_mem>>
      tpu.enqueue_dma source(%arg5 : memref<128x16xf32, #tpu.memory_space<hbm>>) target(%arg13 : memref<128x16xf32, #tpu.memory_space<vmem>>) target_semaphore(%run_scoped3A : memref<!tpu.dma_semaphore, #tpu.memory_space<semaphore_mem>>)
      tpu.wait_dma2 semaphore(%run_scoped3A : memref<!tpu.dma_semaphore, #tpu.memory_space<semaphore_mem>>) src(%arg5 : memref<128x16xf32, #tpu.memory_space<hbm>>) dst(%arg13 : memref<128x16xf32, #tpu.memory_space<vmem>>)
      tpu.yield
    }) : () -> ()
    %mul3A_1 = arith.constant 1024 : i32
    %mul3A_2 = arith.muli %arg1, %mul3A_1 : i32
    "tpu.region"() ({
      %run_scoped3A = tpu.sem_alloc : memref<!tpu.dma_semaphore, #tpu.memory_space<semaphore_mem>>
      %dma_start3A = arith.constant 0 : i32
      %dma_start3A_19 = tpu.memref_slice %arg14[%mul3A_2, %dma_start3A] : memref<16384x64xf32, #tpu.memory_space<vmem_shared>> -> memref<1024x64xf32, #tpu.memory_space<vmem_shared>>
      tpu.enqueue_dma source(%arg6 : memref<1024x64xf32, #tpu.memory_space<hbm>>) target(%dma_start3A_19 : memref<1024x64xf32, #tpu.memory_space<vmem_shared>>) target_semaphore(%run_scoped3A : memref<!tpu.dma_semaphore, #tpu.memory_space<semaphore_mem>>)
      %dma_wait3A = arith.constant 0 : i32
      %dma_wait3A_20 = tpu.memref_slice %arg14[%mul3A_2, %dma_wait3A] : memref<16384x64xf32, #tpu.memory_space<vmem_shared>> -> memref<1024x64xf32, #tpu.memory_space<vmem_shared>>
      tpu.wait_dma2 semaphore(%run_scoped3A : memref<!tpu.dma_semaphore, #tpu.memory_space<semaphore_mem>>) src(%arg6 : memref<1024x64xf32, #tpu.memory_space<hbm>>) dst(%dma_wait3A_20 : memref<1024x64xf32, #tpu.memory_space<vmem_shared>>)
      tpu.yield
    }) : () -> ()
    %mul3A_3 = arith.constant 1024 : i32
    %mul3A_4 = arith.muli %arg1, %mul3A_3 : i32
    "tpu.region"() ({
      %run_scoped3A = tpu.sem_alloc : memref<!tpu.dma_semaphore, #tpu.memory_space<semaphore_mem>>
      %dma_start3A = arith.constant 0 : i32
      %dma_start3A_19 = tpu.memref_slice %arg15[%mul3A_4, %dma_start3A] : memref<16384x16xf32, #tpu.memory_space<vmem_shared>> -> memref<1024x16xf32, #tpu.memory_space<vmem_shared>>
      tpu.enqueue_dma source(%arg7 : memref<1024x16xf32, #tpu.memory_space<hbm>>) target(%dma_start3A_19 : memref<1024x16xf32, #tpu.memory_space<vmem_shared>>) target_semaphore(%run_scoped3A : memref<!tpu.dma_semaphore, #tpu.memory_space<semaphore_mem>>)
      %dma_wait3A = arith.constant 0 : i32
      %dma_wait3A_20 = tpu.memref_slice %arg15[%mul3A_4, %dma_wait3A] : memref<16384x16xf32, #tpu.memory_space<vmem_shared>> -> memref<1024x16xf32, #tpu.memory_space<vmem_shared>>
      tpu.wait_dma2 semaphore(%run_scoped3A : memref<!tpu.dma_semaphore, #tpu.memory_space<semaphore_mem>>) src(%arg7 : memref<1024x16xf32, #tpu.memory_space<hbm>>) dst(%dma_wait3A_20 : memref<1024x16xf32, #tpu.memory_space<vmem_shared>>)
      tpu.yield
    }) : () -> ()
    %barrier3A = arith.constant 0 : index
    tpu.barrier barrier_id(%barrier3A)
    %scan3A = arith.constant 0 : i32
    %scan3A_5 = arith.constant 0 : i32
    %scan3A_6 = arith.constant 4 : i32
    %scan3A_7 = arith.addi %scan3A_5, %scan3A_6 : i32
    %scan3A_8 = arith.constant 1 : i32
    scf.for %scan3A_19 = %scan3A_5 to %scan3A_7 step %scan3A_8  : i32 {
      %mul3A_20 = arith.constant 32 : i32
      %mul3A_21 = arith.muli %scan3A_19, %mul3A_20 : i32
      %add3A = arith.addi %mul3A_0, %mul3A_21 : i32
      "tpu.region"() ({
        %run_scoped3A = tpu.sem_alloc : memref<!tpu.dma_semaphore, #tpu.memory_space<semaphore_mem>>
        %dma_start3A_84 = arith.constant 0 : i32
        %dma_start3A_85 = tpu.memref_slice %arg3[%add3A, %dma_start3A_84] : memref<2048x128xi32, #tpu.memory_space<hbm>> -> memref<32x128xi32, #tpu.memory_space<hbm>>
        %dma_start3A_86 = arith.constant 0 : i32
        %dma_start3A_87 = tpu.memref_slice %arg3[%add3A, %dma_start3A_86] : memref<2048x128xi32, #tpu.memory_space<hbm>> -> memref<32x128xi32, #tpu.memory_space<hbm>>
        tpu.enqueue_dma source(%dma_start3A_87 : memref<32x128xi32, #tpu.memory_space<hbm>>) target(%arg10 : memref<32x128xi32, #tpu.memory_space<vmem>>) target_semaphore(%run_scoped3A : memref<!tpu.dma_semaphore, #tpu.memory_space<semaphore_mem>>)
        %dma_wait3A = arith.constant 0 : i32
        %dma_wait3A_88 = tpu.memref_slice %arg3[%add3A, %dma_wait3A] : memref<2048x128xi32, #tpu.memory_space<hbm>> -> memref<32x128xi32, #tpu.memory_space<hbm>>
        %dma_wait3A_89 = arith.constant 0 : i32
        %dma_wait3A_90 = tpu.memref_slice %arg3[%add3A, %dma_wait3A_89] : memref<2048x128xi32, #tpu.memory_space<hbm>> -> memref<32x128xi32, #tpu.memory_space<hbm>>
        tpu.wait_dma2 semaphore(%run_scoped3A : memref<!tpu.dma_semaphore, #tpu.memory_space<semaphore_mem>>) src(%dma_wait3A_90 : memref<32x128xi32, #tpu.memory_space<hbm>>) dst(%arg10 : memref<32x128xi32, #tpu.memory_space<vmem>>)
        tpu.yield
      }) : () -> ()
      %mul3A_22 = arith.constant 32 : i32
      %mul3A_23 = arith.muli %scan3A_19, %mul3A_22 : i32
      %add3A_24 = arith.addi %mul3A_0, %mul3A_23 : i32
      "tpu.region"() ({
        %run_scoped3A = tpu.sem_alloc : memref<!tpu.dma_semaphore, #tpu.memory_space<semaphore_mem>>
        %dma_start3A_84 = arith.constant 0 : i32
        %dma_start3A_85 = tpu.memref_slice %arg4[%add3A_24, %dma_start3A_84] : memref<2048x128xi32, #tpu.memory_space<hbm>> -> memref<32x128xi32, #tpu.memory_space<hbm>>
        %dma_start3A_86 = arith.constant 0 : i32
        %dma_start3A_87 = tpu.memref_slice %arg4[%add3A_24, %dma_start3A_86] : memref<2048x128xi32, #tpu.memory_space<hbm>> -> memref<32x128xi32, #tpu.memory_space<hbm>>
        tpu.enqueue_dma source(%dma_start3A_87 : memref<32x128xi32, #tpu.memory_space<hbm>>) target(%arg11 : memref<32x128xi32, #tpu.memory_space<vmem>>) target_semaphore(%run_scoped3A : memref<!tpu.dma_semaphore, #tpu.memory_space<semaphore_mem>>)
        %dma_wait3A = arith.constant 0 : i32
        %dma_wait3A_88 = tpu.memref_slice %arg4[%add3A_24, %dma_wait3A] : memref<2048x128xi32, #tpu.memory_space<hbm>> -> memref<32x128xi32, #tpu.memory_space<hbm>>
        %dma_wait3A_89 = arith.constant 0 : i32
        %dma_wait3A_90 = tpu.memref_slice %arg4[%add3A_24, %dma_wait3A_89] : memref<2048x128xi32, #tpu.memory_space<hbm>> -> memref<32x128xi32, #tpu.memory_space<hbm>>
        tpu.wait_dma2 semaphore(%run_scoped3A : memref<!tpu.dma_semaphore, #tpu.memory_space<semaphore_mem>>) src(%dma_wait3A_90 : memref<32x128xi32, #tpu.memory_space<hbm>>) dst(%arg11 : memref<32x128xi32, #tpu.memory_space<vmem>>)
        tpu.yield
      }) : () -> ()
      %scan3A_25 = arith.constant 0 : i32
      %scan3A_26 = arith.constant 0 : i32
      %scan3A_27 = arith.constant 32 : i32
      %scan3A_28 = arith.addi %scan3A_26, %scan3A_27 : i32
      %scan3A_29 = arith.constant 1 : i32
      scf.for %scan3A_84 = %scan3A_26 to %scan3A_28 step %scan3A_29  : i32 {
        %get3A = arith.index_cast %scan3A_84 : i32 to index
        %get3A_85 = arith.constant 0 : index
        %get3A_86 = tpu.vector_load %arg10[%get3A, %get3A_85] {strides = array<i32>} : memref<32x128xi32, #tpu.memory_space<vmem>>, vector<1x16xi32>,
        %get3A_87 = vector.shape_cast %get3A_86 : vector<1x16xi32> to vector<16xi32>
        %mul3A_88 = arith.constant 2 : i32
        %mul3A_89 = vector.broadcast %mul3A_88 : i32 to vector<16xi32>
        %mul3A_90 = arith.muli %get3A_87, %mul3A_89 : vector<16xi32>
        %add3A_91 = vector.broadcast %arg0 : i32 to vector<16xi32>
        %add3A_92 = arith.addi %mul3A_90, %add3A_91 : vector<16xi32>
        %swap3A = arith.index_cast %scan3A_84 : i32 to index
        %swap3A_93 = arith.constant 0 : index
        %swap3A_94 = tpu.vector_load %arg10[%swap3A, %swap3A_93] {strides = array<i32>} : memref<32x128xi32, #tpu.memory_space<vmem>>, vector<1x16xi32>,
        %swap3A_95 = vector.shape_cast %swap3A_94 : vector<1x16xi32> to vector<16xi32>
        %swap3A_96 = vector.shape_cast %add3A_92 : vector<16xi32> to vector<1x16xi32>
        tpu.vector_store %arg10[%swap3A, %swap3A_93], %swap3A_96 {strides = array<i32>} : memref<32x128xi32, #tpu.memory_space<vmem>>, vector<1x16xi32>,
        %get3A_97 = arith.index_cast %scan3A_84 : i32 to index
        %get3A_98 = arith.constant 16 : index
        %get3A_99 = tpu.vector_load %arg10[%get3A_97, %get3A_98] {strides = array<i32>} : memref<32x128xi32, #tpu.memory_space<vmem>>, vector<1x16xi32>,
        %get3A_100 = vector.shape_cast %get3A_99 : vector<1x16xi32> to vector<16xi32>
        %mul3A_101 = arith.constant 2 : i32
        %mul3A_102 = vector.broadcast %mul3A_101 : i32 to vector<16xi32>
        %mul3A_103 = arith.muli %get3A_100, %mul3A_102 : vector<16xi32>
        %add3A_104 = vector.broadcast %arg0 : i32 to vector<16xi32>
        %add3A_105 = arith.addi %mul3A_103, %add3A_104 : vector<16xi32>
        %swap3A_106 = arith.index_cast %scan3A_84 : i32 to index
        %swap3A_107 = arith.constant 16 : index
        %swap3A_108 = tpu.vector_load %arg10[%swap3A_106, %swap3A_107] {strides = array<i32>} : memref<32x128xi32, #tpu.memory_space<vmem>>, vector<1x16xi32>,
        %swap3A_109 = vector.shape_cast %swap3A_108 : vector<1x16xi32> to vector<16xi32>
        %swap3A_110 = vector.shape_cast %add3A_105 : vector<16xi32> to vector<1x16xi32>
        tpu.vector_store %arg10[%swap3A_106, %swap3A_107], %swap3A_110 {strides = array<i32>} : memref<32x128xi32, #tpu.memory_space<vmem>>, vector<1x16xi32>,
        %get3A_111 = arith.index_cast %scan3A_84 : i32 to index
        %get3A_112 = arith.constant 32 : index
        %get3A_113 = tpu.vector_load %arg10[%get3A_111, %get3A_112] {strides = array<i32>} : memref<32x128xi32, #tpu.memory_space<vmem>>, vector<1x16xi32>,
        %get3A_114 = vector.shape_cast %get3A_113 : vector<1x16xi32> to vector<16xi32>
        %mul3A_115 = arith.constant 2 : i32
        %mul3A_116 = vector.broadcast %mul3A_115 : i32 to vector<16xi32>
        %mul3A_117 = arith.muli %get3A_114, %mul3A_116 : vector<16xi32>
        %add3A_118 = vector.broadcast %arg0 : i32 to vector<16xi32>
        %add3A_119 = arith.addi %mul3A_117, %add3A_118 : vector<16xi32>
        %swap3A_120 = arith.index_cast %scan3A_84 : i32 to index
        %swap3A_121 = arith.constant 32 : index
        %swap3A_122 = tpu.vector_load %arg10[%swap3A_120, %swap3A_121] {strides = array<i32>} : memref<32x128xi32, #tpu.memory_space<vmem>>, vector<1x16xi32>,
        %swap3A_123 = vector.shape_cast %swap3A_122 : vector<1x16xi32> to vector<16xi32>
        %swap3A_124 = vector.shape_cast %add3A_119 : vector<16xi32> to vector<1x16xi32>
        tpu.vector_store %arg10[%swap3A_120, %swap3A_121], %swap3A_124 {strides = array<i32>} : memref<32x128xi32, #tpu.memory_space<vmem>>, vector<1x16xi32>,
        %get3A_125 = arith.index_cast %scan3A_84 : i32 to index
        %get3A_126 = arith.constant 48 : index
        %get3A_127 = tpu.vector_load %arg10[%get3A_125, %get3A_126] {strides = array<i32>} : memref<32x128xi32, #tpu.memory_space<vmem>>, vector<1x16xi32>,
        %get3A_128 = vector.shape_cast %get3A_127 : vector<1x16xi32> to vector<16xi32>
        %mul3A_129 = arith.constant 2 : i32
        %mul3A_130 = vector.broadcast %mul3A_129 : i32 to vector<16xi32>
        %mul3A_131 = arith.muli %get3A_128, %mul3A_130 : vector<16xi32>
        %add3A_132 = vector.broadcast %arg0 : i32 to vector<16xi32>
        %add3A_133 = arith.addi %mul3A_131, %add3A_132 : vector<16xi32>
        %swap3A_134 = arith.index_cast %scan3A_84 : i32 to index
        %swap3A_135 = arith.constant 48 : index
        %swap3A_136 = tpu.vector_load %arg10[%swap3A_134, %swap3A_135] {strides = array<i32>} : memref<32x128xi32, #tpu.memory_space<vmem>>, vector<1x16xi32>,
        %swap3A_137 = vector.shape_cast %swap3A_136 : vector<1x16xi32> to vector<16xi32>
        %swap3A_138 = vector.shape_cast %add3A_133 : vector<16xi32> to vector<1x16xi32>
        tpu.vector_store %arg10[%swap3A_134, %swap3A_135], %swap3A_138 {strides = array<i32>} : memref<32x128xi32, #tpu.memory_space<vmem>>, vector<1x16xi32>,
        %get3A_139 = arith.index_cast %scan3A_84 : i32 to index
        %get3A_140 = arith.constant 64 : index
        %get3A_141 = tpu.vector_load %arg10[%get3A_139, %get3A_140] {strides = array<i32>} : memref<32x128xi32, #tpu.memory_space<vmem>>, vector<1x16xi32>,
        %get3A_142 = vector.shape_cast %get3A_141 : vector<1x16xi32> to vector<16xi32>
        %mul3A_143 = arith.constant 2 : i32
        %mul3A_144 = vector.broadcast %mul3A_143 : i32 to vector<16xi32>
        %mul3A_145 = arith.muli %get3A_142, %mul3A_144 : vector<16xi32>
        %add3A_146 = vector.broadcast %arg0 : i32 to vector<16xi32>
        %add3A_147 = arith.addi %mul3A_145, %add3A_146 : vector<16xi32>
        %swap3A_148 = arith.index_cast %scan3A_84 : i32 to index
        %swap3A_149 = arith.constant 64 : index
        %swap3A_150 = tpu.vector_load %arg10[%swap3A_148, %swap3A_149] {strides = array<i32>} : memref<32x128xi32, #tpu.memory_space<vmem>>, vector<1x16xi32>,
        %swap3A_151 = vector.shape_cast %swap3A_150 : vector<1x16xi32> to vector<16xi32>
        %swap3A_152 = vector.shape_cast %add3A_147 : vector<16xi32> to vector<1x16xi32>
        tpu.vector_store %arg10[%swap3A_148, %swap3A_149], %swap3A_152 {strides = array<i32>} : memref<32x128xi32, #tpu.memory_space<vmem>>, vector<1x16xi32>,
        %get3A_153 = arith.index_cast %scan3A_84 : i32 to index
        %get3A_154 = arith.constant 80 : index
        %get3A_155 = tpu.vector_load %arg10[%get3A_153, %get3A_154] {strides = array<i32>} : memref<32x128xi32, #tpu.memory_space<vmem>>, vector<1x16xi32>,
        %get3A_156 = vector.shape_cast %get3A_155 : vector<1x16xi32> to vector<16xi32>
        %mul3A_157 = arith.constant 2 : i32
        %mul3A_158 = vector.broadcast %mul3A_157 : i32 to vector<16xi32>
        %mul3A_159 = arith.muli %get3A_156, %mul3A_158 : vector<16xi32>
        %add3A_160 = vector.broadcast %arg0 : i32 to vector<16xi32>
        %add3A_161 = arith.addi %mul3A_159, %add3A_160 : vector<16xi32>
        %swap3A_162 = arith.index_cast %scan3A_84 : i32 to index
        %swap3A_163 = arith.constant 80 : index
        %swap3A_164 = tpu.vector_load %arg10[%swap3A_162, %swap3A_163] {strides = array<i32>} : memref<32x128xi32, #tpu.memory_space<vmem>>, vector<1x16xi32>,
        %swap3A_165 = vector.shape_cast %swap3A_164 : vector<1x16xi32> to vector<16xi32>
        %swap3A_166 = vector.shape_cast %add3A_161 : vector<16xi32> to vector<1x16xi32>
        tpu.vector_store %arg10[%swap3A_162, %swap3A_163], %swap3A_166 {strides = array<i32>} : memref<32x128xi32, #tpu.memory_space<vmem>>, vector<1x16xi32>,
        %get3A_167 = arith.index_cast %scan3A_84 : i32 to index
        %get3A_168 = arith.constant 96 : index
        %get3A_169 = tpu.vector_load %arg10[%get3A_167, %get3A_168] {strides = array<i32>} : memref<32x128xi32, #tpu.memory_space<vmem>>, vector<1x16xi32>,
        %get3A_170 = vector.shape_cast %get3A_169 : vector<1x16xi32> to vector<16xi32>
        %mul3A_171 = arith.constant 2 : i32
        %mul3A_172 = vector.broadcast %mul3A_171 : i32 to vector<16xi32>
        %mul3A_173 = arith.muli %get3A_170, %mul3A_172 : vector<16xi32>
        %add3A_174 = vector.broadcast %arg0 : i32 to vector<16xi32>
        %add3A_175 = arith.addi %mul3A_173, %add3A_174 : vector<16xi32>
        %swap3A_176 = arith.index_cast %scan3A_84 : i32 to index
        %swap3A_177 = arith.constant 96 : index
        %swap3A_178 = tpu.vector_load %arg10[%swap3A_176, %swap3A_177] {strides = array<i32>} : memref<32x128xi32, #tpu.memory_space<vmem>>, vector<1x16xi32>,
        %swap3A_179 = vector.shape_cast %swap3A_178 : vector<1x16xi32> to vector<16xi32>
        %swap3A_180 = vector.shape_cast %add3A_175 : vector<16xi32> to vector<1x16xi32>
        tpu.vector_store %arg10[%swap3A_176, %swap3A_177], %swap3A_180 {strides = array<i32>} : memref<32x128xi32, #tpu.memory_space<vmem>>, vector<1x16xi32>,
        %get3A_181 = arith.index_cast %scan3A_84 : i32 to index
        %get3A_182 = arith.constant 112 : index
        %get3A_183 = tpu.vector_load %arg10[%get3A_181, %get3A_182] {strides = array<i32>} : memref<32x128xi32, #tpu.memory_space<vmem>>, vector<1x16xi32>,
        %get3A_184 = vector.shape_cast %get3A_183 : vector<1x16xi32> to vector<16xi32>
        %mul3A_185 = arith.constant 2 : i32
        %mul3A_186 = vector.broadcast %mul3A_185 : i32 to vector<16xi32>
        %mul3A_187 = arith.muli %get3A_184, %mul3A_186 : vector<16xi32>
        %add3A_188 = vector.broadcast %arg0 : i32 to vector<16xi32>
        %add3A_189 = arith.addi %mul3A_187, %add3A_188 : vector<16xi32>
        %swap3A_190 = arith.index_cast %scan3A_84 : i32 to index
        %swap3A_191 = arith.constant 112 : index
        %swap3A_192 = tpu.vector_load %arg10[%swap3A_190, %swap3A_191] {strides = array<i32>} : memref<32x128xi32, #tpu.memory_space<vmem>>, vector<1x16xi32>,
        %swap3A_193 = vector.shape_cast %swap3A_192 : vector<1x16xi32> to vector<16xi32>
        %swap3A_194 = vector.shape_cast %add3A_189 : vector<16xi32> to vector<1x16xi32>
        tpu.vector_store %arg10[%swap3A_190, %swap3A_191], %swap3A_194 {strides = array<i32>} : memref<32x128xi32, #tpu.memory_space<vmem>>, vector<1x16xi32>,
      }
      %scan3A_30 = arith.constant 32 : i32
      %dma_start3A = arith.constant 0 : i32
      %dma_start3A_31 = arith.constant 0 : i32
      %dma_start3A_32 = arith.constant 0 : i32
      %dma_start3A_33 = arith.constant 0 : i32
      %dma_start3A_34 = tpu.memref_slice %arg12[%dma_start3A_31, %dma_start3A_32, %dma_start3A_33] : memref<4x128x64xf32, #tpu.memory_space<vmem>> -> memref<1x128x64xf32, #tpu.memory_space<vmem>>
      %dma_start3A_35 = tpu.memref_squeeze %dma_start3A_34 : memref<1x128x64xf32, #tpu.memory_space<vmem>> -> memref<128x64xf32, #tpu.memory_space<vmem>>
      %dma_start3A_36 = arith.constant 0 : i32
      %dma_start3A_37 = tpu.memref_slice %arg10[%dma_start3A, %dma_start3A_36] : memref<32x128xi32, #tpu.memory_space<vmem>> -> memref<1x128xi32, #tpu.memory_space<vmem>>
      %dma_start3A_38 = tpu.memref_squeeze %dma_start3A_37 : memref<1x128xi32, #tpu.memory_space<vmem>> -> memref<128xi32, #tpu.memory_space<vmem>>
      %dma_start3A_39 = arith.constant 0 : i32
      %dma_start3A_40 = arith.constant 0 : i32
      %dma_start3A_41 = tpu.memref_slice %arg2[%dma_start3A_39, %dma_start3A_40] : memref<524288x64xf32, #tpu.memory_space<hbm>> -> memref<524288x64xf32, #tpu.memory_space<hbm>>
      tpu.enqueue_indirect_dma source(%dma_start3A_41 : memref<524288x64xf32, #tpu.memory_space<hbm>>) target(%dma_start3A_35 : memref<128x64xf32, #tpu.memory_space<vmem>>) offsets(%dma_start3A_38 : memref<128xi32, #tpu.memory_space<vmem>>) semaphore(%arg16 : memref<!tpu.dma_semaphore, #tpu.memory_space<semaphore_mem>>)
      %dma_start3A_42 = arith.constant 1 : i32
      %dma_start3A_43 = arith.constant 1 : i32
      %dma_start3A_44 = arith.constant 0 : i32
      %dma_start3A_45 = arith.constant 0 : i32
      %dma_start3A_46 = tpu.memref_slice %arg12[%dma_start3A_43, %dma_start3A_44, %dma_start3A_45] : memref<4x128x64xf32, #tpu.memory_space<vmem>> -> memref<1x128x64xf32, #tpu.memory_space<vmem>>
      %dma_start3A_47 = tpu.memref_squeeze %dma_start3A_46 : memref<1x128x64xf32, #tpu.memory_space<vmem>> -> memref<128x64xf32, #tpu.memory_space<vmem>>
      %dma_start3A_48 = arith.constant 0 : i32
      %dma_start3A_49 = tpu.memref_slice %arg10[%dma_start3A_42, %dma_start3A_48] : memref<32x128xi32, #tpu.memory_space<vmem>> -> memref<1x128xi32, #tpu.memory_space<vmem>>
      %dma_start3A_50 = tpu.memref_squeeze %dma_start3A_49 : memref<1x128xi32, #tpu.memory_space<vmem>> -> memref<128xi32, #tpu.memory_space<vmem>>
      %dma_start3A_51 = arith.constant 0 : i32
      %dma_start3A_52 = arith.constant 0 : i32
      %dma_start3A_53 = tpu.memref_slice %arg2[%dma_start3A_51, %dma_start3A_52] : memref<524288x64xf32, #tpu.memory_space<hbm>> -> memref<524288x64xf32, #tpu.memory_space<hbm>>
      tpu.enqueue_indirect_dma source(%dma_start3A_53 : memref<524288x64xf32, #tpu.memory_space<hbm>>) target(%dma_start3A_47 : memref<128x64xf32, #tpu.memory_space<vmem>>) offsets(%dma_start3A_50 : memref<128xi32, #tpu.memory_space<vmem>>) semaphore(%arg17 : memref<!tpu.dma_semaphore, #tpu.memory_space<semaphore_mem>>)
      %dma_start3A_54 = arith.constant 2 : i32
      %dma_start3A_55 = arith.constant 2 : i32
      %dma_start3A_56 = arith.constant 0 : i32
      %dma_start3A_57 = arith.constant 0 : i32
      %dma_start3A_58 = tpu.memref_slice %arg12[%dma_start3A_55, %dma_start3A_56, %dma_start3A_57] : memref<4x128x64xf32, #tpu.memory_space<vmem>> -> memref<1x128x64xf32, #tpu.memory_space<vmem>>
      %dma_start3A_59 = tpu.memref_squeeze %dma_start3A_58 : memref<1x128x64xf32, #tpu.memory_space<vmem>> -> memref<128x64xf32, #tpu.memory_space<vmem>>
      %dma_start3A_60 = arith.constant 0 : i32
      %dma_start3A_61 = tpu.memref_slice %arg10[%dma_start3A_54, %dma_start3A_60] : memref<32x128xi32, #tpu.memory_space<vmem>> -> memref<1x128xi32, #tpu.memory_space<vmem>>
      %dma_start3A_62 = tpu.memref_squeeze %dma_start3A_61 : memref<1x128xi32, #tpu.memory_space<vmem>> -> memref<128xi32, #tpu.memory_space<vmem>>
      %dma_start3A_63 = arith.constant 0 : i32
      %dma_start3A_64 = arith.constant 0 : i32
      %dma_start3A_65 = tpu.memref_slice %arg2[%dma_start3A_63, %dma_start3A_64] : memref<524288x64xf32, #tpu.memory_space<hbm>> -> memref<524288x64xf32, #tpu.memory_space<hbm>>
      tpu.enqueue_indirect_dma source(%dma_start3A_65 : memref<524288x64xf32, #tpu.memory_space<hbm>>) target(%dma_start3A_59 : memref<128x64xf32, #tpu.memory_space<vmem>>) offsets(%dma_start3A_62 : memref<128xi32, #tpu.memory_space<vmem>>) semaphore(%arg18 : memref<!tpu.dma_semaphore, #tpu.memory_space<semaphore_mem>>)
      %dma_start3A_66 = arith.constant 3 : i32
      %dma_start3A_67 = arith.constant 3 : i32
      %dma_start3A_68 = arith.constant 0 : i32
      %dma_start3A_69 = arith.constant 0 : i32
      %dma_start3A_70 = tpu.memref_slice %arg12[%dma_start3A_67, %dma_start3A_68, %dma_start3A_69] : memref<4x128x64xf32, #tpu.memory_space<vmem>> -> memref<1x128x64xf32, #tpu.memory_space<vmem>>
      %dma_start3A_71 = tpu.memref_squeeze %dma_start3A_70 : memref<1x128x64xf32, #tpu.memory_space<vmem>> -> memref<128x64xf32, #tpu.memory_space<vmem>>
      %dma_start3A_72 = arith.constant 0 : i32
      %dma_start3A_73 = tpu.memref_slice %arg10[%dma_start3A_66, %dma_start3A_72] : memref<32x128xi32, #tpu.memory_space<vmem>> -> memref<1x128xi32, #tpu.memory_space<vmem>>
      %dma_start3A_74 = tpu.memref_squeeze %dma_start3A_73 : memref<1x128xi32, #tpu.memory_space<vmem>> -> memref<128xi32, #tpu.memory_space<vmem>>
      %dma_start3A_75 = arith.constant 0 : i32
      %dma_start3A_76 = arith.constant 0 : i32
      %dma_start3A_77 = tpu.memref_slice %arg2[%dma_start3A_75, %dma_start3A_76] : memref<524288x64xf32, #tpu.memory_space<hbm>> -> memref<524288x64xf32, #tpu.memory_space<hbm>>
      tpu.enqueue_indirect_dma source(%dma_start3A_77 : memref<524288x64xf32, #tpu.memory_space<hbm>>) target(%dma_start3A_71 : memref<128x64xf32, #tpu.memory_space<vmem>>) offsets(%dma_start3A_74 : memref<128xi32, #tpu.memory_space<vmem>>) semaphore(%arg19 : memref<!tpu.dma_semaphore, #tpu.memory_space<semaphore_mem>>)
      %scan3A_78 = arith.constant 0 : i32
      %scan3A_79 = arith.constant 0 : i32
      %scan3A_80 = arith.constant 8 : i32
      %scan3A_81 = arith.addi %scan3A_79, %scan3A_80 : i32
      %scan3A_82 = arith.constant 1 : i32
      scf.for %scan3A_84 = %scan3A_79 to %scan3A_81 step %scan3A_82  : i32 {
        %mul3A_85 = arith.constant 4 : i32
        %mul3A_86 = arith.muli %scan3A_84, %mul3A_85 : i32
        %add3A_87 = arith.constant 0 : i32
        %add3A_88 = arith.addi %mul3A_86, %add3A_87 : i32
        %dma_wait3A = arith.constant 0 : i32
        %dma_wait3A_89 = arith.constant 0 : i32
        %dma_wait3A_90 = arith.constant 0 : i32
        %dma_wait3A_91 = tpu.memref_slice %arg12[%dma_wait3A, %dma_wait3A_89, %dma_wait3A_90] : memref<4x128x64xf32, #tpu.memory_space<vmem>> -> memref<1x128x64xf32, #tpu.memory_space<vmem>>
        %dma_wait3A_92 = tpu.memref_squeeze %dma_wait3A_91 : memref<1x128x64xf32, #tpu.memory_space<vmem>> -> memref<128x64xf32, #tpu.memory_space<vmem>>
        %dma_wait3A_93 = arith.constant 0 : i32
        %dma_wait3A_94 = arith.constant 0 : i32
        %dma_wait3A_95 = tpu.memref_slice %arg2[%dma_wait3A_93, %dma_wait3A_94] : memref<524288x64xf32, #tpu.memory_space<hbm>> -> memref<128x64xf32, #tpu.memory_space<hbm>>
        %dma_wait3A_96 = arith.constant 0 : i32
        %dma_wait3A_97 = arith.constant 0 : i32
        %dma_wait3A_98 = tpu.memref_slice %arg12[%dma_wait3A, %dma_wait3A_96, %dma_wait3A_97] : memref<4x128x64xf32, #tpu.memory_space<vmem>> -> memref<1x128x64xf32, #tpu.memory_space<vmem>>
        %dma_wait3A_99 = tpu.memref_squeeze %dma_wait3A_98 : memref<1x128x64xf32, #tpu.memory_space<vmem>> -> memref<128x64xf32, #tpu.memory_space<vmem>>
        %dma_wait3A_100 = arith.constant 0 : i32
        %dma_wait3A_101 = arith.constant 0 : i32
        %dma_wait3A_102 = tpu.memref_slice %arg2[%dma_wait3A_100, %dma_wait3A_101] : memref<524288x64xf32, #tpu.memory_space<hbm>> -> memref<128x64xf32, #tpu.memory_space<hbm>>
        tpu.wait_dma2 semaphore(%arg16 : memref<!tpu.dma_semaphore, #tpu.memory_space<semaphore_mem>>) src(%dma_wait3A_102 : memref<128x64xf32, #tpu.memory_space<hbm>>) dst(%dma_wait3A_99 : memref<128x64xf32, #tpu.memory_space<vmem>>)
        %run_scoped3A = arith.constant 0 : i32
        "tpu.region"() ({
          %run_scoped3A_207 = tpu.sem_alloc : memref<!tpu.dma_semaphore, #tpu.memory_space<semaphore_mem>>
          %dma_start3A_208 = arith.constant 0 : i32
          %dma_start3A_209 = arith.constant 0 : i32
          %dma_start3A_210 = tpu.memref_slice %arg12[%run_scoped3A, %dma_start3A_208, %dma_start3A_209] : memref<4x128x64xf32, #tpu.memory_space<vmem>> -> memref<1x128x64xf32, #tpu.memory_space<vmem>>
          %dma_start3A_211 = tpu.memref_squeeze %dma_start3A_210 : memref<1x128x64xf32, #tpu.memory_space<vmem>> -> memref<128x64xf32, #tpu.memory_space<vmem>>
          %dma_start3A_212 = arith.constant 0 : i32
          %dma_start3A_213 = tpu.memref_slice %arg11[%add3A_88, %dma_start3A_212] : memref<32x128xi32, #tpu.memory_space<vmem>> -> memref<1x128xi32, #tpu.memory_space<vmem>>
          %dma_start3A_214 = tpu.memref_squeeze %dma_start3A_213 : memref<1x128xi32, #tpu.memory_space<vmem>> -> memref<128xi32, #tpu.memory_space<vmem>>
          %dma_start3A_215 = arith.constant 0 : i32
          %dma_start3A_216 = arith.constant 0 : i32
          %dma_start3A_217 = tpu.memref_slice %arg14[%dma_start3A_215, %dma_start3A_216] : memref<16384x64xf32, #tpu.memory_space<vmem_shared>> -> memref<16384x64xf32, #tpu.memory_space<vmem_shared>>
          tpu.enqueue_indirect_dma source(%dma_start3A_211 : memref<128x64xf32, #tpu.memory_space<vmem>>) target(%dma_start3A_217 : memref<16384x64xf32, #tpu.memory_space<vmem_shared>>) offsets(%dma_start3A_214 : memref<128xi32, #tpu.memory_space<vmem>>) semaphore(%run_scoped3A_207 : memref<!tpu.dma_semaphore, #tpu.memory_space<semaphore_mem>>) {add = true}
          %dma_wait3A_218 = arith.constant 0 : i32
          %dma_wait3A_219 = arith.constant 0 : i32
          %dma_wait3A_220 = tpu.memref_slice %arg12[%run_scoped3A, %dma_wait3A_218, %dma_wait3A_219] : memref<4x128x64xf32, #tpu.memory_space<vmem>> -> memref<1x128x64xf32, #tpu.memory_space<vmem>>
          %dma_wait3A_221 = tpu.memref_squeeze %dma_wait3A_220 : memref<1x128x64xf32, #tpu.memory_space<vmem>> -> memref<128x64xf32, #tpu.memory_space<vmem>>
          %dma_wait3A_222 = arith.constant 0 : i32
          %dma_wait3A_223 = tpu.memref_slice %arg11[%add3A_88, %dma_wait3A_222] : memref<32x128xi32, #tpu.memory_space<vmem>> -> memref<1x128xi32, #tpu.memory_space<vmem>>
          %dma_wait3A_224 = tpu.memref_squeeze %dma_wait3A_223 : memref<1x128xi32, #tpu.memory_space<vmem>> -> memref<128xi32, #tpu.memory_space<vmem>>
          %dma_wait3A_225 = arith.constant 0 : i32
          %dma_wait3A_226 = arith.constant 0 : i32
          %dma_wait3A_227 = tpu.memref_slice %arg14[%dma_wait3A_225, %dma_wait3A_226] : memref<16384x64xf32, #tpu.memory_space<vmem_shared>> -> memref<16384x64xf32, #tpu.memory_space<vmem_shared>>
          tpu.wait_indirect_dma semaphore(%run_scoped3A_207 : memref<!tpu.dma_semaphore, #tpu.memory_space<semaphore_mem>>) src(%dma_wait3A_221 : memref<128x64xf32, #tpu.memory_space<vmem>>) dst(%dma_wait3A_227 : memref<16384x64xf32, #tpu.memory_space<vmem_shared>>)
          tpu.yield
        }) : () -> ()
        %eq3A = arith.constant 0 : i32
        %eq3A_103 = arith.cmpi eq, %arg0, %eq3A : i32
        %convert_element_type3A = arith.extui %eq3A_103 : i1 to i32
        %cond3A = arith.constant 0 : i32
        %cond3A_104 = arith.cmpi ne, %convert_element_type3A, %cond3A : i32
        scf.if %cond3A_104 {
          "tpu.region"() ({
            %run_scoped3A_207 = tpu.sem_alloc : memref<!tpu.dma_semaphore, #tpu.memory_space<semaphore_mem>>
            %dma_start3A_208 = arith.constant 0 : i32
            %dma_start3A_209 = tpu.memref_slice %arg11[%add3A_88, %dma_start3A_208] : memref<32x128xi32, #tpu.memory_space<vmem>> -> memref<1x128xi32, #tpu.memory_space<vmem>>
            %dma_start3A_210 = tpu.memref_squeeze %dma_start3A_209 : memref<1x128xi32, #tpu.memory_space<vmem>> -> memref<128xi32, #tpu.memory_space<vmem>>
            %dma_start3A_211 = arith.constant 0 : i32
            %dma_start3A_212 = arith.constant 0 : i32
            %dma_start3A_213 = tpu.memref_slice %arg15[%dma_start3A_211, %dma_start3A_212] : memref<16384x16xf32, #tpu.memory_space<vmem_shared>> -> memref<16384x16xf32, #tpu.memory_space<vmem_shared>>
            tpu.enqueue_indirect_dma source(%arg13 : memref<128x16xf32, #tpu.memory_space<vmem>>) target(%dma_start3A_213 : memref<16384x16xf32, #tpu.memory_space<vmem_shared>>) offsets(%dma_start3A_210 : memref<128xi32, #tpu.memory_space<vmem>>) semaphore(%run_scoped3A_207 : memref<!tpu.dma_semaphore, #tpu.memory_space<semaphore_mem>>) {add = true}
            %dma_wait3A_214 = arith.constant 0 : i32
            %dma_wait3A_215 = tpu.memref_slice %arg11[%add3A_88, %dma_wait3A_214] : memref<32x128xi32, #tpu.memory_space<vmem>> -> memref<1x128xi32, #tpu.memory_space<vmem>>
            %dma_wait3A_216 = tpu.memref_squeeze %dma_wait3A_215 : memref<1x128xi32, #tpu.memory_space<vmem>> -> memref<128xi32, #tpu.memory_space<vmem>>
            %dma_wait3A_217 = arith.constant 0 : i32
            %dma_wait3A_218 = arith.constant 0 : i32
            %dma_wait3A_219 = tpu.memref_slice %arg15[%dma_wait3A_217, %dma_wait3A_218] : memref<16384x16xf32, #tpu.memory_space<vmem_shared>> -> memref<16384x16xf32, #tpu.memory_space<vmem_shared>>
            tpu.wait_indirect_dma semaphore(%run_scoped3A_207 : memref<!tpu.dma_semaphore, #tpu.memory_space<semaphore_mem>>) src(%arg13 : memref<128x16xf32, #tpu.memory_space<vmem>>) dst(%dma_wait3A_219 : memref<16384x16xf32, #tpu.memory_space<vmem_shared>>)
            tpu.yield
          }) : () -> ()
        } else {
        }
        %add3A_105 = arith.constant 4 : i32
        %add3A_106 = arith.addi %add3A_88, %add3A_105 : i32
        %lt3A = arith.constant 32 : i32
        %lt3A_107 = arith.cmpi slt, %add3A_106, %lt3A : i32
        %convert_element_type3A_108 = arith.extui %lt3A_107 : i1 to i32
        %cond3A_109 = arith.constant 0 : i32
        %cond3A_110 = arith.cmpi ne, %convert_element_type3A_108, %cond3A_109 : i32
        scf.if %cond3A_110 {
          %add3A_207 = arith.constant 4 : i32
          %add3A_208 = arith.addi %add3A_88, %add3A_207 : i32
          %dma_start3A_209 = arith.constant 0 : i32
          %dma_start3A_210 = arith.constant 0 : i32
          %dma_start3A_211 = arith.constant 0 : i32
          %dma_start3A_212 = tpu.memref_slice %arg12[%dma_start3A_209, %dma_start3A_210, %dma_start3A_211] : memref<4x128x64xf32, #tpu.memory_space<vmem>> -> memref<1x128x64xf32, #tpu.memory_space<vmem>>
          %dma_start3A_213 = tpu.memref_squeeze %dma_start3A_212 : memref<1x128x64xf32, #tpu.memory_space<vmem>> -> memref<128x64xf32, #tpu.memory_space<vmem>>
          %dma_start3A_214 = arith.constant 0 : i32
          %dma_start3A_215 = tpu.memref_slice %arg10[%add3A_208, %dma_start3A_214] : memref<32x128xi32, #tpu.memory_space<vmem>> -> memref<1x128xi32, #tpu.memory_space<vmem>>
          %dma_start3A_216 = tpu.memref_squeeze %dma_start3A_215 : memref<1x128xi32, #tpu.memory_space<vmem>> -> memref<128xi32, #tpu.memory_space<vmem>>
          %dma_start3A_217 = arith.constant 0 : i32
          %dma_start3A_218 = arith.constant 0 : i32
          %dma_start3A_219 = tpu.memref_slice %arg2[%dma_start3A_217, %dma_start3A_218] : memref<524288x64xf32, #tpu.memory_space<hbm>> -> memref<524288x64xf32, #tpu.memory_space<hbm>>
          tpu.enqueue_indirect_dma source(%dma_start3A_219 : memref<524288x64xf32, #tpu.memory_space<hbm>>) target(%dma_start3A_213 : memref<128x64xf32, #tpu.memory_space<vmem>>) offsets(%dma_start3A_216 : memref<128xi32, #tpu.memory_space<vmem>>) semaphore(%arg16 : memref<!tpu.dma_semaphore, #tpu.memory_space<semaphore_mem>>)
        } else {
        }
        %mul3A_111 = arith.constant 4 : i32
        %mul3A_112 = arith.muli %scan3A_84, %mul3A_111 : i32
        %add3A_113 = arith.constant 1 : i32
        %add3A_114 = arith.addi %mul3A_112, %add3A_113 : i32
        %dma_wait3A_115 = arith.constant 1 : i32
        %dma_wait3A_116 = arith.constant 0 : i32
        %dma_wait3A_117 = arith.constant 0 : i32
        %dma_wait3A_118 = tpu.memref_slice %arg12[%dma_wait3A_115, %dma_wait3A_116, %dma_wait3A_117] : memref<4x128x64xf32, #tpu.memory_space<vmem>> -> memref<1x128x64xf32, #tpu.memory_space<vmem>>
        %dma_wait3A_119 = tpu.memref_squeeze %dma_wait3A_118 : memref<1x128x64xf32, #tpu.memory_space<vmem>> -> memref<128x64xf32, #tpu.memory_space<vmem>>
        %dma_wait3A_120 = arith.constant 0 : i32
        %dma_wait3A_121 = arith.constant 0 : i32
        %dma_wait3A_122 = tpu.memref_slice %arg2[%dma_wait3A_120, %dma_wait3A_121] : memref<524288x64xf32, #tpu.memory_space<hbm>> -> memref<128x64xf32, #tpu.memory_space<hbm>>
        %dma_wait3A_123 = arith.constant 0 : i32
        %dma_wait3A_124 = arith.constant 0 : i32
        %dma_wait3A_125 = tpu.memref_slice %arg12[%dma_wait3A_115, %dma_wait3A_123, %dma_wait3A_124] : memref<4x128x64xf32, #tpu.memory_space<vmem>> -> memref<1x128x64xf32, #tpu.memory_space<vmem>>
        %dma_wait3A_126 = tpu.memref_squeeze %dma_wait3A_125 : memref<1x128x64xf32, #tpu.memory_space<vmem>> -> memref<128x64xf32, #tpu.memory_space<vmem>>
        %dma_wait3A_127 = arith.constant 0 : i32
        %dma_wait3A_128 = arith.constant 0 : i32
        %dma_wait3A_129 = tpu.memref_slice %arg2[%dma_wait3A_127, %dma_wait3A_128] : memref<524288x64xf32, #tpu.memory_space<hbm>> -> memref<128x64xf32, #tpu.memory_space<hbm>>
        tpu.wait_dma2 semaphore(%arg17 : memref<!tpu.dma_semaphore, #tpu.memory_space<semaphore_mem>>) src(%dma_wait3A_129 : memref<128x64xf32, #tpu.memory_space<hbm>>) dst(%dma_wait3A_126 : memref<128x64xf32, #tpu.memory_space<vmem>>)
        %run_scoped3A_130 = arith.constant 1 : i32
        "tpu.region"() ({
          %run_scoped3A_207 = tpu.sem_alloc : memref<!tpu.dma_semaphore, #tpu.memory_space<semaphore_mem>>
          %dma_start3A_208 = arith.constant 0 : i32
          %dma_start3A_209 = arith.constant 0 : i32
          %dma_start3A_210 = tpu.memref_slice %arg12[%run_scoped3A_130, %dma_start3A_208, %dma_start3A_209] : memref<4x128x64xf32, #tpu.memory_space<vmem>> -> memref<1x128x64xf32, #tpu.memory_space<vmem>>
          %dma_start3A_211 = tpu.memref_squeeze %dma_start3A_210 : memref<1x128x64xf32, #tpu.memory_space<vmem>> -> memref<128x64xf32, #tpu.memory_space<vmem>>
          %dma_start3A_212 = arith.constant 0 : i32
          %dma_start3A_213 = tpu.memref_slice %arg11[%add3A_114, %dma_start3A_212] : memref<32x128xi32, #tpu.memory_space<vmem>> -> memref<1x128xi32, #tpu.memory_space<vmem>>
          %dma_start3A_214 = tpu.memref_squeeze %dma_start3A_213 : memref<1x128xi32, #tpu.memory_space<vmem>> -> memref<128xi32, #tpu.memory_space<vmem>>
          %dma_start3A_215 = arith.constant 0 : i32
          %dma_start3A_216 = arith.constant 0 : i32
          %dma_start3A_217 = tpu.memref_slice %arg14[%dma_start3A_215, %dma_start3A_216] : memref<16384x64xf32, #tpu.memory_space<vmem_shared>> -> memref<16384x64xf32, #tpu.memory_space<vmem_shared>>
          tpu.enqueue_indirect_dma source(%dma_start3A_211 : memref<128x64xf32, #tpu.memory_space<vmem>>) target(%dma_start3A_217 : memref<16384x64xf32, #tpu.memory_space<vmem_shared>>) offsets(%dma_start3A_214 : memref<128xi32, #tpu.memory_space<vmem>>) semaphore(%run_scoped3A_207 : memref<!tpu.dma_semaphore, #tpu.memory_space<semaphore_mem>>) {add = true}
          %dma_wait3A_218 = arith.constant 0 : i32
          %dma_wait3A_219 = arith.constant 0 : i32
          %dma_wait3A_220 = tpu.memref_slice %arg12[%run_scoped3A_130, %dma_wait3A_218, %dma_wait3A_219] : memref<4x128x64xf32, #tpu.memory_space<vmem>> -> memref<1x128x64xf32, #tpu.memory_space<vmem>>
          %dma_wait3A_221 = tpu.memref_squeeze %dma_wait3A_220 : memref<1x128x64xf32, #tpu.memory_space<vmem>> -> memref<128x64xf32, #tpu.memory_space<vmem>>
          %dma_wait3A_222 = arith.constant 0 : i32
          %dma_wait3A_223 = tpu.memref_slice %arg11[%add3A_114, %dma_wait3A_222] : memref<32x128xi32, #tpu.memory_space<vmem>> -> memref<1x128xi32, #tpu.memory_space<vmem>>
          %dma_wait3A_224 = tpu.memref_squeeze %dma_wait3A_223 : memref<1x128xi32, #tpu.memory_space<vmem>> -> memref<128xi32, #tpu.memory_space<vmem>>
          %dma_wait3A_225 = arith.constant 0 : i32
          %dma_wait3A_226 = arith.constant 0 : i32
          %dma_wait3A_227 = tpu.memref_slice %arg14[%dma_wait3A_225, %dma_wait3A_226] : memref<16384x64xf32, #tpu.memory_space<vmem_shared>> -> memref<16384x64xf32, #tpu.memory_space<vmem_shared>>
          tpu.wait_indirect_dma semaphore(%run_scoped3A_207 : memref<!tpu.dma_semaphore, #tpu.memory_space<semaphore_mem>>) src(%dma_wait3A_221 : memref<128x64xf32, #tpu.memory_space<vmem>>) dst(%dma_wait3A_227 : memref<16384x64xf32, #tpu.memory_space<vmem_shared>>)
          tpu.yield
        }) : () -> ()
        %eq3A_131 = arith.constant 1 : i32
        %eq3A_132 = arith.cmpi eq, %arg0, %eq3A_131 : i32
        %convert_element_type3A_133 = arith.extui %eq3A_132 : i1 to i32
        %cond3A_134 = arith.constant 0 : i32
        %cond3A_135 = arith.cmpi ne, %convert_element_type3A_133, %cond3A_134 : i32
        scf.if %cond3A_135 {
          "tpu.region"() ({
            %run_scoped3A_207 = tpu.sem_alloc : memref<!tpu.dma_semaphore, #tpu.memory_space<semaphore_mem>>
            %dma_start3A_208 = arith.constant 0 : i32
            %dma_start3A_209 = tpu.memref_slice %arg11[%add3A_114, %dma_start3A_208] : memref<32x128xi32, #tpu.memory_space<vmem>> -> memref<1x128xi32, #tpu.memory_space<vmem>>
            %dma_start3A_210 = tpu.memref_squeeze %dma_start3A_209 : memref<1x128xi32, #tpu.memory_space<vmem>> -> memref<128xi32, #tpu.memory_space<vmem>>
            %dma_start3A_211 = arith.constant 0 : i32
            %dma_start3A_212 = arith.constant 0 : i32
            %dma_start3A_213 = tpu.memref_slice %arg15[%dma_start3A_211, %dma_start3A_212] : memref<16384x16xf32, #tpu.memory_space<vmem_shared>> -> memref<16384x16xf32, #tpu.memory_space<vmem_shared>>
            tpu.enqueue_indirect_dma source(%arg13 : memref<128x16xf32, #tpu.memory_space<vmem>>) target(%dma_start3A_213 : memref<16384x16xf32, #tpu.memory_space<vmem_shared>>) offsets(%dma_start3A_210 : memref<128xi32, #tpu.memory_space<vmem>>) semaphore(%run_scoped3A_207 : memref<!tpu.dma_semaphore, #tpu.memory_space<semaphore_mem>>) {add = true}
            %dma_wait3A_214 = arith.constant 0 : i32
            %dma_wait3A_215 = tpu.memref_slice %arg11[%add3A_114, %dma_wait3A_214] : memref<32x128xi32, #tpu.memory_space<vmem>> -> memref<1x128xi32, #tpu.memory_space<vmem>>
            %dma_wait3A_216 = tpu.memref_squeeze %dma_wait3A_215 : memref<1x128xi32, #tpu.memory_space<vmem>> -> memref<128xi32, #tpu.memory_space<vmem>>
            %dma_wait3A_217 = arith.constant 0 : i32
            %dma_wait3A_218 = arith.constant 0 : i32
            %dma_wait3A_219 = tpu.memref_slice %arg15[%dma_wait3A_217, %dma_wait3A_218] : memref<16384x16xf32, #tpu.memory_space<vmem_shared>> -> memref<16384x16xf32, #tpu.memory_space<vmem_shared>>
            tpu.wait_indirect_dma semaphore(%run_scoped3A_207 : memref<!tpu.dma_semaphore, #tpu.memory_space<semaphore_mem>>) src(%arg13 : memref<128x16xf32, #tpu.memory_space<vmem>>) dst(%dma_wait3A_219 : memref<16384x16xf32, #tpu.memory_space<vmem_shared>>)
            tpu.yield
          }) : () -> ()
        } else {
        }
        %add3A_136 = arith.constant 4 : i32
        %add3A_137 = arith.addi %add3A_114, %add3A_136 : i32
        %lt3A_138 = arith.constant 32 : i32
        %lt3A_139 = arith.cmpi slt, %add3A_137, %lt3A_138 : i32
        %convert_element_type3A_140 = arith.extui %lt3A_139 : i1 to i32
        %cond3A_141 = arith.constant 0 : i32
        %cond3A_142 = arith.cmpi ne, %convert_element_type3A_140, %cond3A_141 : i32
        scf.if %cond3A_142 {
          %add3A_207 = arith.constant 4 : i32
          %add3A_208 = arith.addi %add3A_114, %add3A_207 : i32
          %dma_start3A_209 = arith.constant 1 : i32
          %dma_start3A_210 = arith.constant 0 : i32
          %dma_start3A_211 = arith.constant 0 : i32
          %dma_start3A_212 = tpu.memref_slice %arg12[%dma_start3A_209, %dma_start3A_210, %dma_start3A_211] : memref<4x128x64xf32, #tpu.memory_space<vmem>> -> memref<1x128x64xf32, #tpu.memory_space<vmem>>
          %dma_start3A_213 = tpu.memref_squeeze %dma_start3A_212 : memref<1x128x64xf32, #tpu.memory_space<vmem>> -> memref<128x64xf32, #tpu.memory_space<vmem>>
          %dma_start3A_214 = arith.constant 0 : i32
          %dma_start3A_215 = tpu.memref_slice %arg10[%add3A_208, %dma_start3A_214] : memref<32x128xi32, #tpu.memory_space<vmem>> -> memref<1x128xi32, #tpu.memory_space<vmem>>
          %dma_start3A_216 = tpu.memref_squeeze %dma_start3A_215 : memref<1x128xi32, #tpu.memory_space<vmem>> -> memref<128xi32, #tpu.memory_space<vmem>>
          %dma_start3A_217 = arith.constant 0 : i32
          %dma_start3A_218 = arith.constant 0 : i32
          %dma_start3A_219 = tpu.memref_slice %arg2[%dma_start3A_217, %dma_start3A_218] : memref<524288x64xf32, #tpu.memory_space<hbm>> -> memref<524288x64xf32, #tpu.memory_space<hbm>>
          tpu.enqueue_indirect_dma source(%dma_start3A_219 : memref<524288x64xf32, #tpu.memory_space<hbm>>) target(%dma_start3A_213 : memref<128x64xf32, #tpu.memory_space<vmem>>) offsets(%dma_start3A_216 : memref<128xi32, #tpu.memory_space<vmem>>) semaphore(%arg17 : memref<!tpu.dma_semaphore, #tpu.memory_space<semaphore_mem>>)
        } else {
        }
        %mul3A_143 = arith.constant 4 : i32
        %mul3A_144 = arith.muli %scan3A_84, %mul3A_143 : i32
        %add3A_145 = arith.constant 2 : i32
        %add3A_146 = arith.addi %mul3A_144, %add3A_145 : i32
        %dma_wait3A_147 = arith.constant 2 : i32
        %dma_wait3A_148 = arith.constant 0 : i32
        %dma_wait3A_149 = arith.constant 0 : i32
        %dma_wait3A_150 = tpu.memref_slice %arg12[%dma_wait3A_147, %dma_wait3A_148, %dma_wait3A_149] : memref<4x128x64xf32, #tpu.memory_space<vmem>> -> memref<1x128x64xf32, #tpu.memory_space<vmem>>
        %dma_wait3A_151 = tpu.memref_squeeze %dma_wait3A_150 : memref<1x128x64xf32, #tpu.memory_space<vmem>> -> memref<128x64xf32, #tpu.memory_space<vmem>>
        %dma_wait3A_152 = arith.constant 0 : i32
        %dma_wait3A_153 = arith.constant 0 : i32
        %dma_wait3A_154 = tpu.memref_slice %arg2[%dma_wait3A_152, %dma_wait3A_153] : memref<524288x64xf32, #tpu.memory_space<hbm>> -> memref<128x64xf32, #tpu.memory_space<hbm>>
        %dma_wait3A_155 = arith.constant 0 : i32
        %dma_wait3A_156 = arith.constant 0 : i32
        %dma_wait3A_157 = tpu.memref_slice %arg12[%dma_wait3A_147, %dma_wait3A_155, %dma_wait3A_156] : memref<4x128x64xf32, #tpu.memory_space<vmem>> -> memref<1x128x64xf32, #tpu.memory_space<vmem>>
        %dma_wait3A_158 = tpu.memref_squeeze %dma_wait3A_157 : memref<1x128x64xf32, #tpu.memory_space<vmem>> -> memref<128x64xf32, #tpu.memory_space<vmem>>
        %dma_wait3A_159 = arith.constant 0 : i32
        %dma_wait3A_160 = arith.constant 0 : i32
        %dma_wait3A_161 = tpu.memref_slice %arg2[%dma_wait3A_159, %dma_wait3A_160] : memref<524288x64xf32, #tpu.memory_space<hbm>> -> memref<128x64xf32, #tpu.memory_space<hbm>>
        tpu.wait_dma2 semaphore(%arg18 : memref<!tpu.dma_semaphore, #tpu.memory_space<semaphore_mem>>) src(%dma_wait3A_161 : memref<128x64xf32, #tpu.memory_space<hbm>>) dst(%dma_wait3A_158 : memref<128x64xf32, #tpu.memory_space<vmem>>)
        %run_scoped3A_162 = arith.constant 2 : i32
        "tpu.region"() ({
          %run_scoped3A_207 = tpu.sem_alloc : memref<!tpu.dma_semaphore, #tpu.memory_space<semaphore_mem>>
          %dma_start3A_208 = arith.constant 0 : i32
          %dma_start3A_209 = arith.constant 0 : i32
          %dma_start3A_210 = tpu.memref_slice %arg12[%run_scoped3A_162, %dma_start3A_208, %dma_start3A_209] : memref<4x128x64xf32, #tpu.memory_space<vmem>> -> memref<1x128x64xf32, #tpu.memory_space<vmem>>
          %dma_start3A_211 = tpu.memref_squeeze %dma_start3A_210 : memref<1x128x64xf32, #tpu.memory_space<vmem>> -> memref<128x64xf32, #tpu.memory_space<vmem>>
          %dma_start3A_212 = arith.constant 0 : i32
          %dma_start3A_213 = tpu.memref_slice %arg11[%add3A_146, %dma_start3A_212] : memref<32x128xi32, #tpu.memory_space<vmem>> -> memref<1x128xi32, #tpu.memory_space<vmem>>
          %dma_start3A_214 = tpu.memref_squeeze %dma_start3A_213 : memref<1x128xi32, #tpu.memory_space<vmem>> -> memref<128xi32, #tpu.memory_space<vmem>>
          %dma_start3A_215 = arith.constant 0 : i32
          %dma_start3A_216 = arith.constant 0 : i32
          %dma_start3A_217 = tpu.memref_slice %arg14[%dma_start3A_215, %dma_start3A_216] : memref<16384x64xf32, #tpu.memory_space<vmem_shared>> -> memref<16384x64xf32, #tpu.memory_space<vmem_shared>>
          tpu.enqueue_indirect_dma source(%dma_start3A_211 : memref<128x64xf32, #tpu.memory_space<vmem>>) target(%dma_start3A_217 : memref<16384x64xf32, #tpu.memory_space<vmem_shared>>) offsets(%dma_start3A_214 : memref<128xi32, #tpu.memory_space<vmem>>) semaphore(%run_scoped3A_207 : memref<!tpu.dma_semaphore, #tpu.memory_space<semaphore_mem>>) {add = true}
          %dma_wait3A_218 = arith.constant 0 : i32
          %dma_wait3A_219 = arith.constant 0 : i32
          %dma_wait3A_220 = tpu.memref_slice %arg12[%run_scoped3A_162, %dma_wait3A_218, %dma_wait3A_219] : memref<4x128x64xf32, #tpu.memory_space<vmem>> -> memref<1x128x64xf32, #tpu.memory_space<vmem>>
          %dma_wait3A_221 = tpu.memref_squeeze %dma_wait3A_220 : memref<1x128x64xf32, #tpu.memory_space<vmem>> -> memref<128x64xf32, #tpu.memory_space<vmem>>
          %dma_wait3A_222 = arith.constant 0 : i32
          %dma_wait3A_223 = tpu.memref_slice %arg11[%add3A_146, %dma_wait3A_222] : memref<32x128xi32, #tpu.memory_space<vmem>> -> memref<1x128xi32, #tpu.memory_space<vmem>>
          %dma_wait3A_224 = tpu.memref_squeeze %dma_wait3A_223 : memref<1x128xi32, #tpu.memory_space<vmem>> -> memref<128xi32, #tpu.memory_space<vmem>>
          %dma_wait3A_225 = arith.constant 0 : i32
          %dma_wait3A_226 = arith.constant 0 : i32
          %dma_wait3A_227 = tpu.memref_slice %arg14[%dma_wait3A_225, %dma_wait3A_226] : memref<16384x64xf32, #tpu.memory_space<vmem_shared>> -> memref<16384x64xf32, #tpu.memory_space<vmem_shared>>
          tpu.wait_indirect_dma semaphore(%run_scoped3A_207 : memref<!tpu.dma_semaphore, #tpu.memory_space<semaphore_mem>>) src(%dma_wait3A_221 : memref<128x64xf32, #tpu.memory_space<vmem>>) dst(%dma_wait3A_227 : memref<16384x64xf32, #tpu.memory_space<vmem_shared>>)
          tpu.yield
        }) : () -> ()
        %eq3A_163 = arith.constant 0 : i32
        %eq3A_164 = arith.cmpi eq, %arg0, %eq3A_163 : i32
        %convert_element_type3A_165 = arith.extui %eq3A_164 : i1 to i32
        %cond3A_166 = arith.constant 0 : i32
        %cond3A_167 = arith.cmpi ne, %convert_element_type3A_165, %cond3A_166 : i32
        scf.if %cond3A_167 {
          "tpu.region"() ({
            %run_scoped3A_207 = tpu.sem_alloc : memref<!tpu.dma_semaphore, #tpu.memory_space<semaphore_mem>>
            %dma_start3A_208 = arith.constant 0 : i32
            %dma_start3A_209 = tpu.memref_slice %arg11[%add3A_146, %dma_start3A_208] : memref<32x128xi32, #tpu.memory_space<vmem>> -> memref<1x128xi32, #tpu.memory_space<vmem>>
            %dma_start3A_210 = tpu.memref_squeeze %dma_start3A_209 : memref<1x128xi32, #tpu.memory_space<vmem>> -> memref<128xi32, #tpu.memory_space<vmem>>
            %dma_start3A_211 = arith.constant 0 : i32
            %dma_start3A_212 = arith.constant 0 : i32
            %dma_start3A_213 = tpu.memref_slice %arg15[%dma_start3A_211, %dma_start3A_212] : memref<16384x16xf32, #tpu.memory_space<vmem_shared>> -> memref<16384x16xf32, #tpu.memory_space<vmem_shared>>
            tpu.enqueue_indirect_dma source(%arg13 : memref<128x16xf32, #tpu.memory_space<vmem>>) target(%dma_start3A_213 : memref<16384x16xf32, #tpu.memory_space<vmem_shared>>) offsets(%dma_start3A_210 : memref<128xi32, #tpu.memory_space<vmem>>) semaphore(%run_scoped3A_207 : memref<!tpu.dma_semaphore, #tpu.memory_space<semaphore_mem>>) {add = true}
            %dma_wait3A_214 = arith.constant 0 : i32
            %dma_wait3A_215 = tpu.memref_slice %arg11[%add3A_146, %dma_wait3A_214] : memref<32x128xi32, #tpu.memory_space<vmem>> -> memref<1x128xi32, #tpu.memory_space<vmem>>
            %dma_wait3A_216 = tpu.memref_squeeze %dma_wait3A_215 : memref<1x128xi32, #tpu.memory_space<vmem>> -> memref<128xi32, #tpu.memory_space<vmem>>
            %dma_wait3A_217 = arith.constant 0 : i32
            %dma_wait3A_218 = arith.constant 0 : i32
            %dma_wait3A_219 = tpu.memref_slice %arg15[%dma_wait3A_217, %dma_wait3A_218] : memref<16384x16xf32, #tpu.memory_space<vmem_shared>> -> memref<16384x16xf32, #tpu.memory_space<vmem_shared>>
            tpu.wait_indirect_dma semaphore(%run_scoped3A_207 : memref<!tpu.dma_semaphore, #tpu.memory_space<semaphore_mem>>) src(%arg13 : memref<128x16xf32, #tpu.memory_space<vmem>>) dst(%dma_wait3A_219 : memref<16384x16xf32, #tpu.memory_space<vmem_shared>>)
            tpu.yield
          }) : () -> ()
        } else {
        }
        %add3A_168 = arith.constant 4 : i32
        %add3A_169 = arith.addi %add3A_146, %add3A_168 : i32
        %lt3A_170 = arith.constant 32 : i32
        %lt3A_171 = arith.cmpi slt, %add3A_169, %lt3A_170 : i32
        %convert_element_type3A_172 = arith.extui %lt3A_171 : i1 to i32
        %cond3A_173 = arith.constant 0 : i32
        %cond3A_174 = arith.cmpi ne, %convert_element_type3A_172, %cond3A_173 : i32
        scf.if %cond3A_174 {
          %add3A_207 = arith.constant 4 : i32
          %add3A_208 = arith.addi %add3A_146, %add3A_207 : i32
          %dma_start3A_209 = arith.constant 2 : i32
          %dma_start3A_210 = arith.constant 0 : i32
          %dma_start3A_211 = arith.constant 0 : i32
          %dma_start3A_212 = tpu.memref_slice %arg12[%dma_start3A_209, %dma_start3A_210, %dma_start3A_211] : memref<4x128x64xf32, #tpu.memory_space<vmem>> -> memref<1x128x64xf32, #tpu.memory_space<vmem>>
          %dma_start3A_213 = tpu.memref_squeeze %dma_start3A_212 : memref<1x128x64xf32, #tpu.memory_space<vmem>> -> memref<128x64xf32, #tpu.memory_space<vmem>>
          %dma_start3A_214 = arith.constant 0 : i32
          %dma_start3A_215 = tpu.memref_slice %arg10[%add3A_208, %dma_start3A_214] : memref<32x128xi32, #tpu.memory_space<vmem>> -> memref<1x128xi32, #tpu.memory_space<vmem>>
          %dma_start3A_216 = tpu.memref_squeeze %dma_start3A_215 : memref<1x128xi32, #tpu.memory_space<vmem>> -> memref<128xi32, #tpu.memory_space<vmem>>
          %dma_start3A_217 = arith.constant 0 : i32
          %dma_start3A_218 = arith.constant 0 : i32
          %dma_start3A_219 = tpu.memref_slice %arg2[%dma_start3A_217, %dma_start3A_218] : memref<524288x64xf32, #tpu.memory_space<hbm>> -> memref<524288x64xf32, #tpu.memory_space<hbm>>
          tpu.enqueue_indirect_dma source(%dma_start3A_219 : memref<524288x64xf32, #tpu.memory_space<hbm>>) target(%dma_start3A_213 : memref<128x64xf32, #tpu.memory_space<vmem>>) offsets(%dma_start3A_216 : memref<128xi32, #tpu.memory_space<vmem>>) semaphore(%arg18 : memref<!tpu.dma_semaphore, #tpu.memory_space<semaphore_mem>>)
        } else {
        }
        %mul3A_175 = arith.constant 4 : i32
        %mul3A_176 = arith.muli %scan3A_84, %mul3A_175 : i32
        %add3A_177 = arith.constant 3 : i32
        %add3A_178 = arith.addi %mul3A_176, %add3A_177 : i32
        %dma_wait3A_179 = arith.constant 3 : i32
        %dma_wait3A_180 = arith.constant 0 : i32
        %dma_wait3A_181 = arith.constant 0 : i32
        %dma_wait3A_182 = tpu.memref_slice %arg12[%dma_wait3A_179, %dma_wait3A_180, %dma_wait3A_181] : memref<4x128x64xf32, #tpu.memory_space<vmem>> -> memref<1x128x64xf32, #tpu.memory_space<vmem>>
        %dma_wait3A_183 = tpu.memref_squeeze %dma_wait3A_182 : memref<1x128x64xf32, #tpu.memory_space<vmem>> -> memref<128x64xf32, #tpu.memory_space<vmem>>
        %dma_wait3A_184 = arith.constant 0 : i32
        %dma_wait3A_185 = arith.constant 0 : i32
        %dma_wait3A_186 = tpu.memref_slice %arg2[%dma_wait3A_184, %dma_wait3A_185] : memref<524288x64xf32, #tpu.memory_space<hbm>> -> memref<128x64xf32, #tpu.memory_space<hbm>>
        %dma_wait3A_187 = arith.constant 0 : i32
        %dma_wait3A_188 = arith.constant 0 : i32
        %dma_wait3A_189 = tpu.memref_slice %arg12[%dma_wait3A_179, %dma_wait3A_187, %dma_wait3A_188] : memref<4x128x64xf32, #tpu.memory_space<vmem>> -> memref<1x128x64xf32, #tpu.memory_space<vmem>>
        %dma_wait3A_190 = tpu.memref_squeeze %dma_wait3A_189 : memref<1x128x64xf32, #tpu.memory_space<vmem>> -> memref<128x64xf32, #tpu.memory_space<vmem>>
        %dma_wait3A_191 = arith.constant 0 : i32
        %dma_wait3A_192 = arith.constant 0 : i32
        %dma_wait3A_193 = tpu.memref_slice %arg2[%dma_wait3A_191, %dma_wait3A_192] : memref<524288x64xf32, #tpu.memory_space<hbm>> -> memref<128x64xf32, #tpu.memory_space<hbm>>
        tpu.wait_dma2 semaphore(%arg19 : memref<!tpu.dma_semaphore, #tpu.memory_space<semaphore_mem>>) src(%dma_wait3A_193 : memref<128x64xf32, #tpu.memory_space<hbm>>) dst(%dma_wait3A_190 : memref<128x64xf32, #tpu.memory_space<vmem>>)
        %run_scoped3A_194 = arith.constant 3 : i32
        "tpu.region"() ({
          %run_scoped3A_207 = tpu.sem_alloc : memref<!tpu.dma_semaphore, #tpu.memory_space<semaphore_mem>>
          %dma_start3A_208 = arith.constant 0 : i32
          %dma_start3A_209 = arith.constant 0 : i32
          %dma_start3A_210 = tpu.memref_slice %arg12[%run_scoped3A_194, %dma_start3A_208, %dma_start3A_209] : memref<4x128x64xf32, #tpu.memory_space<vmem>> -> memref<1x128x64xf32, #tpu.memory_space<vmem>>
          %dma_start3A_211 = tpu.memref_squeeze %dma_start3A_210 : memref<1x128x64xf32, #tpu.memory_space<vmem>> -> memref<128x64xf32, #tpu.memory_space<vmem>>
          %dma_start3A_212 = arith.constant 0 : i32
          %dma_start3A_213 = tpu.memref_slice %arg11[%add3A_178, %dma_start3A_212] : memref<32x128xi32, #tpu.memory_space<vmem>> -> memref<1x128xi32, #tpu.memory_space<vmem>>
          %dma_start3A_214 = tpu.memref_squeeze %dma_start3A_213 : memref<1x128xi32, #tpu.memory_space<vmem>> -> memref<128xi32, #tpu.memory_space<vmem>>
          %dma_start3A_215 = arith.constant 0 : i32
          %dma_start3A_216 = arith.constant 0 : i32
          %dma_start3A_217 = tpu.memref_slice %arg14[%dma_start3A_215, %dma_start3A_216] : memref<16384x64xf32, #tpu.memory_space<vmem_shared>> -> memref<16384x64xf32, #tpu.memory_space<vmem_shared>>
          tpu.enqueue_indirect_dma source(%dma_start3A_211 : memref<128x64xf32, #tpu.memory_space<vmem>>) target(%dma_start3A_217 : memref<16384x64xf32, #tpu.memory_space<vmem_shared>>) offsets(%dma_start3A_214 : memref<128xi32, #tpu.memory_space<vmem>>) semaphore(%run_scoped3A_207 : memref<!tpu.dma_semaphore, #tpu.memory_space<semaphore_mem>>) {add = true}
          %dma_wait3A_218 = arith.constant 0 : i32
          %dma_wait3A_219 = arith.constant 0 : i32
          %dma_wait3A_220 = tpu.memref_slice %arg12[%run_scoped3A_194, %dma_wait3A_218, %dma_wait3A_219] : memref<4x128x64xf32, #tpu.memory_space<vmem>> -> memref<1x128x64xf32, #tpu.memory_space<vmem>>
          %dma_wait3A_221 = tpu.memref_squeeze %dma_wait3A_220 : memref<1x128x64xf32, #tpu.memory_space<vmem>> -> memref<128x64xf32, #tpu.memory_space<vmem>>
          %dma_wait3A_222 = arith.constant 0 : i32
          %dma_wait3A_223 = tpu.memref_slice %arg11[%add3A_178, %dma_wait3A_222] : memref<32x128xi32, #tpu.memory_space<vmem>> -> memref<1x128xi32, #tpu.memory_space<vmem>>
          %dma_wait3A_224 = tpu.memref_squeeze %dma_wait3A_223 : memref<1x128xi32, #tpu.memory_space<vmem>> -> memref<128xi32, #tpu.memory_space<vmem>>
          %dma_wait3A_225 = arith.constant 0 : i32
          %dma_wait3A_226 = arith.constant 0 : i32
          %dma_wait3A_227 = tpu.memref_slice %arg14[%dma_wait3A_225, %dma_wait3A_226] : memref<16384x64xf32, #tpu.memory_space<vmem_shared>> -> memref<16384x64xf32, #tpu.memory_space<vmem_shared>>
          tpu.wait_indirect_dma semaphore(%run_scoped3A_207 : memref<!tpu.dma_semaphore, #tpu.memory_space<semaphore_mem>>) src(%dma_wait3A_221 : memref<128x64xf32, #tpu.memory_space<vmem>>) dst(%dma_wait3A_227 : memref<16384x64xf32, #tpu.memory_space<vmem_shared>>)
          tpu.yield
        }) : () -> ()
        %eq3A_195 = arith.constant 1 : i32
        %eq3A_196 = arith.cmpi eq, %arg0, %eq3A_195 : i32
        %convert_element_type3A_197 = arith.extui %eq3A_196 : i1 to i32
        %cond3A_198 = arith.constant 0 : i32
        %cond3A_199 = arith.cmpi ne, %convert_element_type3A_197, %cond3A_198 : i32
        scf.if %cond3A_199 {
          "tpu.region"() ({
            %run_scoped3A_207 = tpu.sem_alloc : memref<!tpu.dma_semaphore, #tpu.memory_space<semaphore_mem>>
            %dma_start3A_208 = arith.constant 0 : i32
            %dma_start3A_209 = tpu.memref_slice %arg11[%add3A_178, %dma_start3A_208] : memref<32x128xi32, #tpu.memory_space<vmem>> -> memref<1x128xi32, #tpu.memory_space<vmem>>
            %dma_start3A_210 = tpu.memref_squeeze %dma_start3A_209 : memref<1x128xi32, #tpu.memory_space<vmem>> -> memref<128xi32, #tpu.memory_space<vmem>>
            %dma_start3A_211 = arith.constant 0 : i32
            %dma_start3A_212 = arith.constant 0 : i32
            %dma_start3A_213 = tpu.memref_slice %arg15[%dma_start3A_211, %dma_start3A_212] : memref<16384x16xf32, #tpu.memory_space<vmem_shared>> -> memref<16384x16xf32, #tpu.memory_space<vmem_shared>>
            tpu.enqueue_indirect_dma source(%arg13 : memref<128x16xf32, #tpu.memory_space<vmem>>) target(%dma_start3A_213 : memref<16384x16xf32, #tpu.memory_space<vmem_shared>>) offsets(%dma_start3A_210 : memref<128xi32, #tpu.memory_space<vmem>>) semaphore(%run_scoped3A_207 : memref<!tpu.dma_semaphore, #tpu.memory_space<semaphore_mem>>) {add = true}
            %dma_wait3A_214 = arith.constant 0 : i32
            %dma_wait3A_215 = tpu.memref_slice %arg11[%add3A_178, %dma_wait3A_214] : memref<32x128xi32, #tpu.memory_space<vmem>> -> memref<1x128xi32, #tpu.memory_space<vmem>>
            %dma_wait3A_216 = tpu.memref_squeeze %dma_wait3A_215 : memref<1x128xi32, #tpu.memory_space<vmem>> -> memref<128xi32, #tpu.memory_space<vmem>>
            %dma_wait3A_217 = arith.constant 0 : i32
            %dma_wait3A_218 = arith.constant 0 : i32
            %dma_wait3A_219 = tpu.memref_slice %arg15[%dma_wait3A_217, %dma_wait3A_218] : memref<16384x16xf32, #tpu.memory_space<vmem_shared>> -> memref<16384x16xf32, #tpu.memory_space<vmem_shared>>
            tpu.wait_indirect_dma semaphore(%run_scoped3A_207 : memref<!tpu.dma_semaphore, #tpu.memory_space<semaphore_mem>>) src(%arg13 : memref<128x16xf32, #tpu.memory_space<vmem>>) dst(%dma_wait3A_219 : memref<16384x16xf32, #tpu.memory_space<vmem_shared>>)
            tpu.yield
          }) : () -> ()
        } else {
        }
        %add3A_200 = arith.constant 4 : i32
        %add3A_201 = arith.addi %add3A_178, %add3A_200 : i32
        %lt3A_202 = arith.constant 32 : i32
        %lt3A_203 = arith.cmpi slt, %add3A_201, %lt3A_202 : i32
        %convert_element_type3A_204 = arith.extui %lt3A_203 : i1 to i32
        %cond3A_205 = arith.constant 0 : i32
        %cond3A_206 = arith.cmpi ne, %convert_element_type3A_204, %cond3A_205 : i32
        scf.if %cond3A_206 {
          %add3A_207 = arith.constant 4 : i32
          %add3A_208 = arith.addi %add3A_178, %add3A_207 : i32
          %dma_start3A_209 = arith.constant 3 : i32
          %dma_start3A_210 = arith.constant 0 : i32
          %dma_start3A_211 = arith.constant 0 : i32
          %dma_start3A_212 = tpu.memref_slice %arg12[%dma_start3A_209, %dma_start3A_210, %dma_start3A_211] : memref<4x128x64xf32, #tpu.memory_space<vmem>> -> memref<1x128x64xf32, #tpu.memory_space<vmem>>
          %dma_start3A_213 = tpu.memref_squeeze %dma_start3A_212 : memref<1x128x64xf32, #tpu.memory_space<vmem>> -> memref<128x64xf32, #tpu.memory_space<vmem>>
          %dma_start3A_214 = arith.constant 0 : i32
          %dma_start3A_215 = tpu.memref_slice %arg10[%add3A_208, %dma_start3A_214] : memref<32x128xi32, #tpu.memory_space<vmem>> -> memref<1x128xi32, #tpu.memory_space<vmem>>
          %dma_start3A_216 = tpu.memref_squeeze %dma_start3A_215 : memref<1x128xi32, #tpu.memory_space<vmem>> -> memref<128xi32, #tpu.memory_space<vmem>>
          %dma_start3A_217 = arith.constant 0 : i32
          %dma_start3A_218 = arith.constant 0 : i32
          %dma_start3A_219 = tpu.memref_slice %arg2[%dma_start3A_217, %dma_start3A_218] : memref<524288x64xf32, #tpu.memory_space<hbm>> -> memref<524288x64xf32, #tpu.memory_space<hbm>>
          tpu.enqueue_indirect_dma source(%dma_start3A_219 : memref<524288x64xf32, #tpu.memory_space<hbm>>) target(%dma_start3A_213 : memref<128x64xf32, #tpu.memory_space<vmem>>) offsets(%dma_start3A_216 : memref<128xi32, #tpu.memory_space<vmem>>) semaphore(%arg19 : memref<!tpu.dma_semaphore, #tpu.memory_space<semaphore_mem>>)
        } else {
        }
      }
      %scan3A_83 = arith.constant 8 : i32
    }
    %scan3A_9 = arith.constant 4 : i32
    %barrier3A_10 = arith.constant 0 : index
    tpu.barrier barrier_id(%barrier3A_10)
    %mul3A_11 = arith.constant 1024 : i32
    %mul3A_12 = arith.muli %arg1, %mul3A_11 : i32
    %mul3A_13 = arith.constant 1024 : i32
    %mul3A_14 = arith.muli %arg1, %mul3A_13 : i32
    "tpu.region"() ({
      %run_scoped3A = tpu.sem_alloc : memref<!tpu.dma_semaphore, #tpu.memory_space<semaphore_mem>>
      %dma_start3A = arith.constant 0 : i32
      %dma_start3A_19 = tpu.memref_slice %arg8[%arg0, %mul3A_14, %dma_start3A] : memref<2x16384x64xf32, #tpu.memory_space<hbm>> -> memref<1x1024x64xf32, #tpu.memory_space<hbm>>
      %dma_start3A_20 = tpu.memref_squeeze %dma_start3A_19 : memref<1x1024x64xf32, #tpu.memory_space<hbm>> -> memref<1024x64xf32, #tpu.memory_space<hbm>>
      %dma_start3A_21 = arith.constant 0 : i32
      %dma_start3A_22 = tpu.memref_slice %arg14[%mul3A_12, %dma_start3A_21] : memref<16384x64xf32, #tpu.memory_space<vmem_shared>> -> memref<1024x64xf32, #tpu.memory_space<vmem_shared>>
      tpu.enqueue_dma source(%dma_start3A_22 : memref<1024x64xf32, #tpu.memory_space<vmem_shared>>) target(%dma_start3A_20 : memref<1024x64xf32, #tpu.memory_space<hbm>>) target_semaphore(%run_scoped3A : memref<!tpu.dma_semaphore, #tpu.memory_space<semaphore_mem>>)
      %dma_wait3A = arith.constant 0 : i32
      %dma_wait3A_23 = tpu.memref_slice %arg8[%arg0, %mul3A_14, %dma_wait3A] : memref<2x16384x64xf32, #tpu.memory_space<hbm>> -> memref<1x1024x64xf32, #tpu.memory_space<hbm>>
      %dma_wait3A_24 = tpu.memref_squeeze %dma_wait3A_23 : memref<1x1024x64xf32, #tpu.memory_space<hbm>> -> memref<1024x64xf32, #tpu.memory_space<hbm>>
      %dma_wait3A_25 = arith.constant 0 : i32
      %dma_wait3A_26 = tpu.memref_slice %arg14[%mul3A_12, %dma_wait3A_25] : memref<16384x64xf32, #tpu.memory_space<vmem_shared>> -> memref<1024x64xf32, #tpu.memory_space<vmem_shared>>
      tpu.wait_dma2 semaphore(%run_scoped3A : memref<!tpu.dma_semaphore, #tpu.memory_space<semaphore_mem>>) src(%dma_wait3A_26 : memref<1024x64xf32, #tpu.memory_space<vmem_shared>>) dst(%dma_wait3A_24 : memref<1024x64xf32, #tpu.memory_space<hbm>>)
      tpu.yield
    }) : () -> ()
    %mul3A_15 = arith.constant 1024 : i32
    %mul3A_16 = arith.muli %arg1, %mul3A_15 : i32
    %mul3A_17 = arith.constant 1024 : i32
    %mul3A_18 = arith.muli %arg1, %mul3A_17 : i32
    "tpu.region"() ({
      %run_scoped3A = tpu.sem_alloc : memref<!tpu.dma_semaphore, #tpu.memory_space<semaphore_mem>>
      %dma_start3A = arith.constant 0 : i32
      %dma_start3A_19 = tpu.memref_slice %arg9[%arg0, %mul3A_18, %dma_start3A] : memref<2x16384x16xf32, #tpu.memory_space<hbm>> -> memref<1x1024x16xf32, #tpu.memory_space<hbm>>
      %dma_start3A_20 = tpu.memref_squeeze %dma_start3A_19 : memref<1x1024x16xf32, #tpu.memory_space<hbm>> -> memref<1024x16xf32, #tpu.memory_space<hbm>>
      %dma_start3A_21 = arith.constant 0 : i32
      %dma_start3A_22 = tpu.memref_slice %arg15[%mul3A_16, %dma_start3A_21] : memref<16384x16xf32, #tpu.memory_space<vmem_shared>> -> memref<1024x16xf32, #tpu.memory_space<vmem_shared>>
      tpu.enqueue_dma source(%dma_start3A_22 : memref<1024x16xf32, #tpu.memory_space<vmem_shared>>) target(%dma_start3A_20 : memref<1024x16xf32, #tpu.memory_space<hbm>>) target_semaphore(%run_scoped3A : memref<!tpu.dma_semaphore, #tpu.memory_space<semaphore_mem>>)
      %dma_wait3A = arith.constant 0 : i32
      %dma_wait3A_23 = tpu.memref_slice %arg9[%arg0, %mul3A_18, %dma_wait3A] : memref<2x16384x16xf32, #tpu.memory_space<hbm>> -> memref<1x1024x16xf32, #tpu.memory_space<hbm>>
      %dma_wait3A_24 = tpu.memref_squeeze %dma_wait3A_23 : memref<1x1024x16xf32, #tpu.memory_space<hbm>> -> memref<1024x16xf32, #tpu.memory_space<hbm>>
      %dma_wait3A_25 = arith.constant 0 : i32
      %dma_wait3A_26 = tpu.memref_slice %arg15[%mul3A_16, %dma_wait3A_25] : memref<16384x16xf32, #tpu.memory_space<vmem_shared>> -> memref<1024x16xf32, #tpu.memory_space<vmem_shared>>
      tpu.wait_dma2 semaphore(%run_scoped3A : memref<!tpu.dma_semaphore, #tpu.memory_space<semaphore_mem>>) src(%dma_wait3A_26 : memref<1024x16xf32, #tpu.memory_space<vmem_shared>>) dst(%dma_wait3A_24 : memref<1024x16xf32, #tpu.memory_space<hbm>>)
      tpu.yield
    }) : () -> ()
    return
  }
}

#map = affine_map<(d0, d1) -> (0, 0)>
#map1 = affine_map<(d0, d1) -> (0, 0, 0)>
module attributes {stable_mosaic.version = 14 : i64} {
  func.func @_l1_agg_body(%arg0: i32, %arg1: i32, %arg2: memref<16384x128xf32, #tpu.memory_space<hbm>>, %arg3: memref<128x128xi32, #tpu.memory_space<hbm>>, %arg4: memref<128x128xi32, #tpu.memory_space<hbm>>, %arg5: memref<128x16xf32, #tpu.memory_space<hbm>>, %arg6: memref<64x128xf32, #tpu.memory_space<hbm>>, %arg7: memref<64x16xf32, #tpu.memory_space<hbm>>, %arg8: memref<2x1024x128xf32, #tpu.memory_space<hbm>>, %arg9: memref<2x1024x16xf32, #tpu.memory_space<hbm>>, %arg10: memref<4x128xi32, #tpu.memory_space<vmem>>, %arg11: memref<4x128xi32, #tpu.memory_space<vmem>>, %arg12: memref<128x128xf32, #tpu.memory_space<vmem>>, %arg13: memref<128x16xf32, #tpu.memory_space<vmem>>, %arg14: memref<1024x128xf32, #tpu.memory_space<vmem_shared>>, %arg15: memref<1024x16xf32, #tpu.memory_space<vmem_shared>>, %arg16: memref<!tpu.dma_semaphore, #tpu.memory_space<semaphore_mem>>) attributes {dimension_semantics = [#tpu.dimension_semantics<core_parallel>, #tpu.dimension_semantics<subcore_parallel>], iteration_bounds = array<i64: 2, 16>, scalar_prefetch = 0 : i64, scratch_operands = 7 : i64, tpu.core_type = #tpu.core_type<sc_vector_subcore>, window_params = [{transform_indices = #map}, {transform_indices = #map}, {transform_indices = #map}, {transform_indices = #map}, {transform_indices = #map}, {transform_indices = #map}, {transform_indices = #map1}, {transform_indices = #map1}]} {
    %mul3A = arith.constant 2 : i32
    %mul3A_0 = arith.muli %arg1, %mul3A : i32
    %add3A = arith.addi %mul3A_0, %arg0 : i32
    %mul3A_1 = arith.constant 4 : i32
    %mul3A_2 = arith.muli %add3A, %mul3A_1 : i32
    "tpu.region"() ({
      %run_scoped3A_79 = tpu.sem_alloc : memref<!tpu.dma_semaphore, #tpu.memory_space<semaphore_mem>>
      %dma_start3A_80 = arith.constant 0 : i32
      %dma_start3A_81 = tpu.memref_slice %arg3[%mul3A_2, %dma_start3A_80] : memref<128x128xi32, #tpu.memory_space<hbm>> -> memref<4x128xi32, #tpu.memory_space<hbm>>
      %dma_start3A_82 = arith.constant 0 : i32
      %dma_start3A_83 = tpu.memref_slice %arg3[%mul3A_2, %dma_start3A_82] : memref<128x128xi32, #tpu.memory_space<hbm>> -> memref<4x128xi32, #tpu.memory_space<hbm>>
      tpu.enqueue_dma source(%dma_start3A_83 : memref<4x128xi32, #tpu.memory_space<hbm>>) target(%arg10 : memref<4x128xi32, #tpu.memory_space<vmem>>) target_semaphore(%run_scoped3A_79 : memref<!tpu.dma_semaphore, #tpu.memory_space<semaphore_mem>>)
      %dma_wait3A_84 = arith.constant 0 : i32
      %dma_wait3A_85 = tpu.memref_slice %arg3[%mul3A_2, %dma_wait3A_84] : memref<128x128xi32, #tpu.memory_space<hbm>> -> memref<4x128xi32, #tpu.memory_space<hbm>>
      %dma_wait3A_86 = arith.constant 0 : i32
      %dma_wait3A_87 = tpu.memref_slice %arg3[%mul3A_2, %dma_wait3A_86] : memref<128x128xi32, #tpu.memory_space<hbm>> -> memref<4x128xi32, #tpu.memory_space<hbm>>
      tpu.wait_dma2 semaphore(%run_scoped3A_79 : memref<!tpu.dma_semaphore, #tpu.memory_space<semaphore_mem>>) src(%dma_wait3A_87 : memref<4x128xi32, #tpu.memory_space<hbm>>) dst(%arg10 : memref<4x128xi32, #tpu.memory_space<vmem>>)
      tpu.yield
    }) : () -> ()
    %mul3A_3 = arith.constant 4 : i32
    %mul3A_4 = arith.muli %add3A, %mul3A_3 : i32
    "tpu.region"() ({
      %run_scoped3A_79 = tpu.sem_alloc : memref<!tpu.dma_semaphore, #tpu.memory_space<semaphore_mem>>
      %dma_start3A_80 = arith.constant 0 : i32
      %dma_start3A_81 = tpu.memref_slice %arg4[%mul3A_4, %dma_start3A_80] : memref<128x128xi32, #tpu.memory_space<hbm>> -> memref<4x128xi32, #tpu.memory_space<hbm>>
      %dma_start3A_82 = arith.constant 0 : i32
      %dma_start3A_83 = tpu.memref_slice %arg4[%mul3A_4, %dma_start3A_82] : memref<128x128xi32, #tpu.memory_space<hbm>> -> memref<4x128xi32, #tpu.memory_space<hbm>>
      tpu.enqueue_dma source(%dma_start3A_83 : memref<4x128xi32, #tpu.memory_space<hbm>>) target(%arg11 : memref<4x128xi32, #tpu.memory_space<vmem>>) target_semaphore(%run_scoped3A_79 : memref<!tpu.dma_semaphore, #tpu.memory_space<semaphore_mem>>)
      %dma_wait3A_84 = arith.constant 0 : i32
      %dma_wait3A_85 = tpu.memref_slice %arg4[%mul3A_4, %dma_wait3A_84] : memref<128x128xi32, #tpu.memory_space<hbm>> -> memref<4x128xi32, #tpu.memory_space<hbm>>
      %dma_wait3A_86 = arith.constant 0 : i32
      %dma_wait3A_87 = tpu.memref_slice %arg4[%mul3A_4, %dma_wait3A_86] : memref<128x128xi32, #tpu.memory_space<hbm>> -> memref<4x128xi32, #tpu.memory_space<hbm>>
      tpu.wait_dma2 semaphore(%run_scoped3A_79 : memref<!tpu.dma_semaphore, #tpu.memory_space<semaphore_mem>>) src(%dma_wait3A_87 : memref<4x128xi32, #tpu.memory_space<hbm>>) dst(%arg11 : memref<4x128xi32, #tpu.memory_space<vmem>>)
      tpu.yield
    }) : () -> ()
    "tpu.region"() ({
      %run_scoped3A_79 = tpu.sem_alloc : memref<!tpu.dma_semaphore, #tpu.memory_space<semaphore_mem>>
      tpu.enqueue_dma source(%arg5 : memref<128x16xf32, #tpu.memory_space<hbm>>) target(%arg13 : memref<128x16xf32, #tpu.memory_space<vmem>>) target_semaphore(%run_scoped3A_79 : memref<!tpu.dma_semaphore, #tpu.memory_space<semaphore_mem>>)
      tpu.wait_dma2 semaphore(%run_scoped3A_79 : memref<!tpu.dma_semaphore, #tpu.memory_space<semaphore_mem>>) src(%arg5 : memref<128x16xf32, #tpu.memory_space<hbm>>) dst(%arg13 : memref<128x16xf32, #tpu.memory_space<vmem>>)
      tpu.yield
    }) : () -> ()
    %mul3A_5 = arith.constant 64 : i32
    %mul3A_6 = arith.muli %arg1, %mul3A_5 : i32
    "tpu.region"() ({
      %run_scoped3A_79 = tpu.sem_alloc : memref<!tpu.dma_semaphore, #tpu.memory_space<semaphore_mem>>
      %dma_start3A_80 = arith.constant 0 : i32
      %dma_start3A_81 = tpu.memref_slice %arg14[%mul3A_6, %dma_start3A_80] : memref<1024x128xf32, #tpu.memory_space<vmem_shared>> -> memref<64x128xf32, #tpu.memory_space<vmem_shared>>
      tpu.enqueue_dma source(%arg6 : memref<64x128xf32, #tpu.memory_space<hbm>>) target(%dma_start3A_81 : memref<64x128xf32, #tpu.memory_space<vmem_shared>>) target_semaphore(%run_scoped3A_79 : memref<!tpu.dma_semaphore, #tpu.memory_space<semaphore_mem>>)
      %dma_wait3A_82 = arith.constant 0 : i32
      %dma_wait3A_83 = tpu.memref_slice %arg14[%mul3A_6, %dma_wait3A_82] : memref<1024x128xf32, #tpu.memory_space<vmem_shared>> -> memref<64x128xf32, #tpu.memory_space<vmem_shared>>
      tpu.wait_dma2 semaphore(%run_scoped3A_79 : memref<!tpu.dma_semaphore, #tpu.memory_space<semaphore_mem>>) src(%arg6 : memref<64x128xf32, #tpu.memory_space<hbm>>) dst(%dma_wait3A_83 : memref<64x128xf32, #tpu.memory_space<vmem_shared>>)
      tpu.yield
    }) : () -> ()
    %mul3A_7 = arith.constant 64 : i32
    %mul3A_8 = arith.muli %arg1, %mul3A_7 : i32
    "tpu.region"() ({
      %run_scoped3A_79 = tpu.sem_alloc : memref<!tpu.dma_semaphore, #tpu.memory_space<semaphore_mem>>
      %dma_start3A_80 = arith.constant 0 : i32
      %dma_start3A_81 = tpu.memref_slice %arg15[%mul3A_8, %dma_start3A_80] : memref<1024x16xf32, #tpu.memory_space<vmem_shared>> -> memref<64x16xf32, #tpu.memory_space<vmem_shared>>
      tpu.enqueue_dma source(%arg7 : memref<64x16xf32, #tpu.memory_space<hbm>>) target(%dma_start3A_81 : memref<64x16xf32, #tpu.memory_space<vmem_shared>>) target_semaphore(%run_scoped3A_79 : memref<!tpu.dma_semaphore, #tpu.memory_space<semaphore_mem>>)
      %dma_wait3A_82 = arith.constant 0 : i32
      %dma_wait3A_83 = tpu.memref_slice %arg15[%mul3A_8, %dma_wait3A_82] : memref<1024x16xf32, #tpu.memory_space<vmem_shared>> -> memref<64x16xf32, #tpu.memory_space<vmem_shared>>
      tpu.wait_dma2 semaphore(%run_scoped3A_79 : memref<!tpu.dma_semaphore, #tpu.memory_space<semaphore_mem>>) src(%arg7 : memref<64x16xf32, #tpu.memory_space<hbm>>) dst(%dma_wait3A_83 : memref<64x16xf32, #tpu.memory_space<vmem_shared>>)
      tpu.yield
    }) : () -> ()
    %barrier3A = arith.constant 0 : index
    tpu.barrier barrier_id(%barrier3A)
    %dma_start3A = arith.constant 0 : i32
    %dma_start3A_9 = arith.constant 0 : i32
    %dma_start3A_10 = tpu.memref_slice %arg10[%dma_start3A, %dma_start3A_9] : memref<4x128xi32, #tpu.memory_space<vmem>> -> memref<1x128xi32, #tpu.memory_space<vmem>>
    %dma_start3A_11 = tpu.memref_squeeze %dma_start3A_10 : memref<1x128xi32, #tpu.memory_space<vmem>> -> memref<128xi32, #tpu.memory_space<vmem>>
    %dma_start3A_12 = arith.constant 0 : i32
    %dma_start3A_13 = arith.constant 0 : i32
    %dma_start3A_14 = tpu.memref_slice %arg2[%dma_start3A_12, %dma_start3A_13] : memref<16384x128xf32, #tpu.memory_space<hbm>> -> memref<16384x128xf32, #tpu.memory_space<hbm>>
    tpu.enqueue_indirect_dma source(%dma_start3A_14 : memref<16384x128xf32, #tpu.memory_space<hbm>>) target(%arg12 : memref<128x128xf32, #tpu.memory_space<vmem>>) offsets(%dma_start3A_11 : memref<128xi32, #tpu.memory_space<vmem>>) semaphore(%arg16 : memref<!tpu.dma_semaphore, #tpu.memory_space<semaphore_mem>>)
    %dma_wait3A = arith.constant 0 : i32
    %dma_wait3A_15 = arith.constant 0 : i32
    %dma_wait3A_16 = tpu.memref_slice %arg10[%dma_wait3A, %dma_wait3A_15] : memref<4x128xi32, #tpu.memory_space<vmem>> -> memref<1x128xi32, #tpu.memory_space<vmem>>
    %dma_wait3A_17 = tpu.memref_squeeze %dma_wait3A_16 : memref<1x128xi32, #tpu.memory_space<vmem>> -> memref<128xi32, #tpu.memory_space<vmem>>
    %dma_wait3A_18 = arith.constant 0 : i32
    %dma_wait3A_19 = arith.constant 0 : i32
    %dma_wait3A_20 = tpu.memref_slice %arg2[%dma_wait3A_18, %dma_wait3A_19] : memref<16384x128xf32, #tpu.memory_space<hbm>> -> memref<16384x128xf32, #tpu.memory_space<hbm>>
    tpu.wait_indirect_dma semaphore(%arg16 : memref<!tpu.dma_semaphore, #tpu.memory_space<semaphore_mem>>) src(%dma_wait3A_20 : memref<16384x128xf32, #tpu.memory_space<hbm>>) dst(%arg12 : memref<128x128xf32, #tpu.memory_space<vmem>>)
    %run_scoped3A = arith.constant 0 : i32
    "tpu.region"() ({
      %run_scoped3A_79 = tpu.sem_alloc : memref<!tpu.dma_semaphore, #tpu.memory_space<semaphore_mem>>
      %dma_start3A_80 = arith.constant 0 : i32
      %dma_start3A_81 = tpu.memref_slice %arg11[%run_scoped3A, %dma_start3A_80] : memref<4x128xi32, #tpu.memory_space<vmem>> -> memref<1x128xi32, #tpu.memory_space<vmem>>
      %dma_start3A_82 = tpu.memref_squeeze %dma_start3A_81 : memref<1x128xi32, #tpu.memory_space<vmem>> -> memref<128xi32, #tpu.memory_space<vmem>>
      %dma_start3A_83 = arith.constant 0 : i32
      %dma_start3A_84 = arith.constant 0 : i32
      %dma_start3A_85 = tpu.memref_slice %arg14[%dma_start3A_83, %dma_start3A_84] : memref<1024x128xf32, #tpu.memory_space<vmem_shared>> -> memref<1024x128xf32, #tpu.memory_space<vmem_shared>>
      tpu.enqueue_indirect_dma source(%arg12 : memref<128x128xf32, #tpu.memory_space<vmem>>) target(%dma_start3A_85 : memref<1024x128xf32, #tpu.memory_space<vmem_shared>>) offsets(%dma_start3A_82 : memref<128xi32, #tpu.memory_space<vmem>>) semaphore(%run_scoped3A_79 : memref<!tpu.dma_semaphore, #tpu.memory_space<semaphore_mem>>) {add = true}
      %dma_wait3A_86 = arith.constant 0 : i32
      %dma_wait3A_87 = tpu.memref_slice %arg11[%run_scoped3A, %dma_wait3A_86] : memref<4x128xi32, #tpu.memory_space<vmem>> -> memref<1x128xi32, #tpu.memory_space<vmem>>
      %dma_wait3A_88 = tpu.memref_squeeze %dma_wait3A_87 : memref<1x128xi32, #tpu.memory_space<vmem>> -> memref<128xi32, #tpu.memory_space<vmem>>
      %dma_wait3A_89 = arith.constant 0 : i32
      %dma_wait3A_90 = arith.constant 0 : i32
      %dma_wait3A_91 = tpu.memref_slice %arg14[%dma_wait3A_89, %dma_wait3A_90] : memref<1024x128xf32, #tpu.memory_space<vmem_shared>> -> memref<1024x128xf32, #tpu.memory_space<vmem_shared>>
      tpu.wait_indirect_dma semaphore(%run_scoped3A_79 : memref<!tpu.dma_semaphore, #tpu.memory_space<semaphore_mem>>) src(%arg12 : memref<128x128xf32, #tpu.memory_space<vmem>>) dst(%dma_wait3A_91 : memref<1024x128xf32, #tpu.memory_space<vmem_shared>>)
      tpu.yield
    }) : () -> ()
    %run_scoped3A_21 = arith.constant 0 : i32
    "tpu.region"() ({
      %run_scoped3A_79 = tpu.sem_alloc : memref<!tpu.dma_semaphore, #tpu.memory_space<semaphore_mem>>
      %dma_start3A_80 = arith.constant 0 : i32
      %dma_start3A_81 = tpu.memref_slice %arg11[%run_scoped3A_21, %dma_start3A_80] : memref<4x128xi32, #tpu.memory_space<vmem>> -> memref<1x128xi32, #tpu.memory_space<vmem>>
      %dma_start3A_82 = tpu.memref_squeeze %dma_start3A_81 : memref<1x128xi32, #tpu.memory_space<vmem>> -> memref<128xi32, #tpu.memory_space<vmem>>
      %dma_start3A_83 = arith.constant 0 : i32
      %dma_start3A_84 = arith.constant 0 : i32
      %dma_start3A_85 = tpu.memref_slice %arg15[%dma_start3A_83, %dma_start3A_84] : memref<1024x16xf32, #tpu.memory_space<vmem_shared>> -> memref<1024x16xf32, #tpu.memory_space<vmem_shared>>
      tpu.enqueue_indirect_dma source(%arg13 : memref<128x16xf32, #tpu.memory_space<vmem>>) target(%dma_start3A_85 : memref<1024x16xf32, #tpu.memory_space<vmem_shared>>) offsets(%dma_start3A_82 : memref<128xi32, #tpu.memory_space<vmem>>) semaphore(%run_scoped3A_79 : memref<!tpu.dma_semaphore, #tpu.memory_space<semaphore_mem>>) {add = true}
      %dma_wait3A_86 = arith.constant 0 : i32
      %dma_wait3A_87 = tpu.memref_slice %arg11[%run_scoped3A_21, %dma_wait3A_86] : memref<4x128xi32, #tpu.memory_space<vmem>> -> memref<1x128xi32, #tpu.memory_space<vmem>>
      %dma_wait3A_88 = tpu.memref_squeeze %dma_wait3A_87 : memref<1x128xi32, #tpu.memory_space<vmem>> -> memref<128xi32, #tpu.memory_space<vmem>>
      %dma_wait3A_89 = arith.constant 0 : i32
      %dma_wait3A_90 = arith.constant 0 : i32
      %dma_wait3A_91 = tpu.memref_slice %arg15[%dma_wait3A_89, %dma_wait3A_90] : memref<1024x16xf32, #tpu.memory_space<vmem_shared>> -> memref<1024x16xf32, #tpu.memory_space<vmem_shared>>
      tpu.wait_indirect_dma semaphore(%run_scoped3A_79 : memref<!tpu.dma_semaphore, #tpu.memory_space<semaphore_mem>>) src(%arg13 : memref<128x16xf32, #tpu.memory_space<vmem>>) dst(%dma_wait3A_91 : memref<1024x16xf32, #tpu.memory_space<vmem_shared>>)
      tpu.yield
    }) : () -> ()
    %dma_start3A_22 = arith.constant 1 : i32
    %dma_start3A_23 = arith.constant 0 : i32
    %dma_start3A_24 = tpu.memref_slice %arg10[%dma_start3A_22, %dma_start3A_23] : memref<4x128xi32, #tpu.memory_space<vmem>> -> memref<1x128xi32, #tpu.memory_space<vmem>>
    %dma_start3A_25 = tpu.memref_squeeze %dma_start3A_24 : memref<1x128xi32, #tpu.memory_space<vmem>> -> memref<128xi32, #tpu.memory_space<vmem>>
    %dma_start3A_26 = arith.constant 0 : i32
    %dma_start3A_27 = arith.constant 0 : i32
    %dma_start3A_28 = tpu.memref_slice %arg2[%dma_start3A_26, %dma_start3A_27] : memref<16384x128xf32, #tpu.memory_space<hbm>> -> memref<16384x128xf32, #tpu.memory_space<hbm>>
    tpu.enqueue_indirect_dma source(%dma_start3A_28 : memref<16384x128xf32, #tpu.memory_space<hbm>>) target(%arg12 : memref<128x128xf32, #tpu.memory_space<vmem>>) offsets(%dma_start3A_25 : memref<128xi32, #tpu.memory_space<vmem>>) semaphore(%arg16 : memref<!tpu.dma_semaphore, #tpu.memory_space<semaphore_mem>>)
    %dma_wait3A_29 = arith.constant 1 : i32
    %dma_wait3A_30 = arith.constant 0 : i32
    %dma_wait3A_31 = tpu.memref_slice %arg10[%dma_wait3A_29, %dma_wait3A_30] : memref<4x128xi32, #tpu.memory_space<vmem>> -> memref<1x128xi32, #tpu.memory_space<vmem>>
    %dma_wait3A_32 = tpu.memref_squeeze %dma_wait3A_31 : memref<1x128xi32, #tpu.memory_space<vmem>> -> memref<128xi32, #tpu.memory_space<vmem>>
    %dma_wait3A_33 = arith.constant 0 : i32
    %dma_wait3A_34 = arith.constant 0 : i32
    %dma_wait3A_35 = tpu.memref_slice %arg2[%dma_wait3A_33, %dma_wait3A_34] : memref<16384x128xf32, #tpu.memory_space<hbm>> -> memref<16384x128xf32, #tpu.memory_space<hbm>>
    tpu.wait_indirect_dma semaphore(%arg16 : memref<!tpu.dma_semaphore, #tpu.memory_space<semaphore_mem>>) src(%dma_wait3A_35 : memref<16384x128xf32, #tpu.memory_space<hbm>>) dst(%arg12 : memref<128x128xf32, #tpu.memory_space<vmem>>)
    %run_scoped3A_36 = arith.constant 1 : i32
    "tpu.region"() ({
      %run_scoped3A_79 = tpu.sem_alloc : memref<!tpu.dma_semaphore, #tpu.memory_space<semaphore_mem>>
      %dma_start3A_80 = arith.constant 0 : i32
      %dma_start3A_81 = tpu.memref_slice %arg11[%run_scoped3A_36, %dma_start3A_80] : memref<4x128xi32, #tpu.memory_space<vmem>> -> memref<1x128xi32, #tpu.memory_space<vmem>>
      %dma_start3A_82 = tpu.memref_squeeze %dma_start3A_81 : memref<1x128xi32, #tpu.memory_space<vmem>> -> memref<128xi32, #tpu.memory_space<vmem>>
      %dma_start3A_83 = arith.constant 0 : i32
      %dma_start3A_84 = arith.constant 0 : i32
      %dma_start3A_85 = tpu.memref_slice %arg14[%dma_start3A_83, %dma_start3A_84] : memref<1024x128xf32, #tpu.memory_space<vmem_shared>> -> memref<1024x128xf32, #tpu.memory_space<vmem_shared>>
      tpu.enqueue_indirect_dma source(%arg12 : memref<128x128xf32, #tpu.memory_space<vmem>>) target(%dma_start3A_85 : memref<1024x128xf32, #tpu.memory_space<vmem_shared>>) offsets(%dma_start3A_82 : memref<128xi32, #tpu.memory_space<vmem>>) semaphore(%run_scoped3A_79 : memref<!tpu.dma_semaphore, #tpu.memory_space<semaphore_mem>>) {add = true}
      %dma_wait3A_86 = arith.constant 0 : i32
      %dma_wait3A_87 = tpu.memref_slice %arg11[%run_scoped3A_36, %dma_wait3A_86] : memref<4x128xi32, #tpu.memory_space<vmem>> -> memref<1x128xi32, #tpu.memory_space<vmem>>
      %dma_wait3A_88 = tpu.memref_squeeze %dma_wait3A_87 : memref<1x128xi32, #tpu.memory_space<vmem>> -> memref<128xi32, #tpu.memory_space<vmem>>
      %dma_wait3A_89 = arith.constant 0 : i32
      %dma_wait3A_90 = arith.constant 0 : i32
      %dma_wait3A_91 = tpu.memref_slice %arg14[%dma_wait3A_89, %dma_wait3A_90] : memref<1024x128xf32, #tpu.memory_space<vmem_shared>> -> memref<1024x128xf32, #tpu.memory_space<vmem_shared>>
      tpu.wait_indirect_dma semaphore(%run_scoped3A_79 : memref<!tpu.dma_semaphore, #tpu.memory_space<semaphore_mem>>) src(%arg12 : memref<128x128xf32, #tpu.memory_space<vmem>>) dst(%dma_wait3A_91 : memref<1024x128xf32, #tpu.memory_space<vmem_shared>>)
      tpu.yield
    }) : () -> ()
    %run_scoped3A_37 = arith.constant 1 : i32
    "tpu.region"() ({
      %run_scoped3A_79 = tpu.sem_alloc : memref<!tpu.dma_semaphore, #tpu.memory_space<semaphore_mem>>
      %dma_start3A_80 = arith.constant 0 : i32
      %dma_start3A_81 = tpu.memref_slice %arg11[%run_scoped3A_37, %dma_start3A_80] : memref<4x128xi32, #tpu.memory_space<vmem>> -> memref<1x128xi32, #tpu.memory_space<vmem>>
      %dma_start3A_82 = tpu.memref_squeeze %dma_start3A_81 : memref<1x128xi32, #tpu.memory_space<vmem>> -> memref<128xi32, #tpu.memory_space<vmem>>
      %dma_start3A_83 = arith.constant 0 : i32
      %dma_start3A_84 = arith.constant 0 : i32
      %dma_start3A_85 = tpu.memref_slice %arg15[%dma_start3A_83, %dma_start3A_84] : memref<1024x16xf32, #tpu.memory_space<vmem_shared>> -> memref<1024x16xf32, #tpu.memory_space<vmem_shared>>
      tpu.enqueue_indirect_dma source(%arg13 : memref<128x16xf32, #tpu.memory_space<vmem>>) target(%dma_start3A_85 : memref<1024x16xf32, #tpu.memory_space<vmem_shared>>) offsets(%dma_start3A_82 : memref<128xi32, #tpu.memory_space<vmem>>) semaphore(%run_scoped3A_79 : memref<!tpu.dma_semaphore, #tpu.memory_space<semaphore_mem>>) {add = true}
      %dma_wait3A_86 = arith.constant 0 : i32
      %dma_wait3A_87 = tpu.memref_slice %arg11[%run_scoped3A_37, %dma_wait3A_86] : memref<4x128xi32, #tpu.memory_space<vmem>> -> memref<1x128xi32, #tpu.memory_space<vmem>>
      %dma_wait3A_88 = tpu.memref_squeeze %dma_wait3A_87 : memref<1x128xi32, #tpu.memory_space<vmem>> -> memref<128xi32, #tpu.memory_space<vmem>>
      %dma_wait3A_89 = arith.constant 0 : i32
      %dma_wait3A_90 = arith.constant 0 : i32
      %dma_wait3A_91 = tpu.memref_slice %arg15[%dma_wait3A_89, %dma_wait3A_90] : memref<1024x16xf32, #tpu.memory_space<vmem_shared>> -> memref<1024x16xf32, #tpu.memory_space<vmem_shared>>
      tpu.wait_indirect_dma semaphore(%run_scoped3A_79 : memref<!tpu.dma_semaphore, #tpu.memory_space<semaphore_mem>>) src(%arg13 : memref<128x16xf32, #tpu.memory_space<vmem>>) dst(%dma_wait3A_91 : memref<1024x16xf32, #tpu.memory_space<vmem_shared>>)
      tpu.yield
    }) : () -> ()
    %dma_start3A_38 = arith.constant 2 : i32
    %dma_start3A_39 = arith.constant 0 : i32
    %dma_start3A_40 = tpu.memref_slice %arg10[%dma_start3A_38, %dma_start3A_39] : memref<4x128xi32, #tpu.memory_space<vmem>> -> memref<1x128xi32, #tpu.memory_space<vmem>>
    %dma_start3A_41 = tpu.memref_squeeze %dma_start3A_40 : memref<1x128xi32, #tpu.memory_space<vmem>> -> memref<128xi32, #tpu.memory_space<vmem>>
    %dma_start3A_42 = arith.constant 0 : i32
    %dma_start3A_43 = arith.constant 0 : i32
    %dma_start3A_44 = tpu.memref_slice %arg2[%dma_start3A_42, %dma_start3A_43] : memref<16384x128xf32, #tpu.memory_space<hbm>> -> memref<16384x128xf32, #tpu.memory_space<hbm>>
    tpu.enqueue_indirect_dma source(%dma_start3A_44 : memref<16384x128xf32, #tpu.memory_space<hbm>>) target(%arg12 : memref<128x128xf32, #tpu.memory_space<vmem>>) offsets(%dma_start3A_41 : memref<128xi32, #tpu.memory_space<vmem>>) semaphore(%arg16 : memref<!tpu.dma_semaphore, #tpu.memory_space<semaphore_mem>>)
    %dma_wait3A_45 = arith.constant 2 : i32
    %dma_wait3A_46 = arith.constant 0 : i32
    %dma_wait3A_47 = tpu.memref_slice %arg10[%dma_wait3A_45, %dma_wait3A_46] : memref<4x128xi32, #tpu.memory_space<vmem>> -> memref<1x128xi32, #tpu.memory_space<vmem>>
    %dma_wait3A_48 = tpu.memref_squeeze %dma_wait3A_47 : memref<1x128xi32, #tpu.memory_space<vmem>> -> memref<128xi32, #tpu.memory_space<vmem>>
    %dma_wait3A_49 = arith.constant 0 : i32
    %dma_wait3A_50 = arith.constant 0 : i32
    %dma_wait3A_51 = tpu.memref_slice %arg2[%dma_wait3A_49, %dma_wait3A_50] : memref<16384x128xf32, #tpu.memory_space<hbm>> -> memref<16384x128xf32, #tpu.memory_space<hbm>>
    tpu.wait_indirect_dma semaphore(%arg16 : memref<!tpu.dma_semaphore, #tpu.memory_space<semaphore_mem>>) src(%dma_wait3A_51 : memref<16384x128xf32, #tpu.memory_space<hbm>>) dst(%arg12 : memref<128x128xf32, #tpu.memory_space<vmem>>)
    %run_scoped3A_52 = arith.constant 2 : i32
    "tpu.region"() ({
      %run_scoped3A_79 = tpu.sem_alloc : memref<!tpu.dma_semaphore, #tpu.memory_space<semaphore_mem>>
      %dma_start3A_80 = arith.constant 0 : i32
      %dma_start3A_81 = tpu.memref_slice %arg11[%run_scoped3A_52, %dma_start3A_80] : memref<4x128xi32, #tpu.memory_space<vmem>> -> memref<1x128xi32, #tpu.memory_space<vmem>>
      %dma_start3A_82 = tpu.memref_squeeze %dma_start3A_81 : memref<1x128xi32, #tpu.memory_space<vmem>> -> memref<128xi32, #tpu.memory_space<vmem>>
      %dma_start3A_83 = arith.constant 0 : i32
      %dma_start3A_84 = arith.constant 0 : i32
      %dma_start3A_85 = tpu.memref_slice %arg14[%dma_start3A_83, %dma_start3A_84] : memref<1024x128xf32, #tpu.memory_space<vmem_shared>> -> memref<1024x128xf32, #tpu.memory_space<vmem_shared>>
      tpu.enqueue_indirect_dma source(%arg12 : memref<128x128xf32, #tpu.memory_space<vmem>>) target(%dma_start3A_85 : memref<1024x128xf32, #tpu.memory_space<vmem_shared>>) offsets(%dma_start3A_82 : memref<128xi32, #tpu.memory_space<vmem>>) semaphore(%run_scoped3A_79 : memref<!tpu.dma_semaphore, #tpu.memory_space<semaphore_mem>>) {add = true}
      %dma_wait3A_86 = arith.constant 0 : i32
      %dma_wait3A_87 = tpu.memref_slice %arg11[%run_scoped3A_52, %dma_wait3A_86] : memref<4x128xi32, #tpu.memory_space<vmem>> -> memref<1x128xi32, #tpu.memory_space<vmem>>
      %dma_wait3A_88 = tpu.memref_squeeze %dma_wait3A_87 : memref<1x128xi32, #tpu.memory_space<vmem>> -> memref<128xi32, #tpu.memory_space<vmem>>
      %dma_wait3A_89 = arith.constant 0 : i32
      %dma_wait3A_90 = arith.constant 0 : i32
      %dma_wait3A_91 = tpu.memref_slice %arg14[%dma_wait3A_89, %dma_wait3A_90] : memref<1024x128xf32, #tpu.memory_space<vmem_shared>> -> memref<1024x128xf32, #tpu.memory_space<vmem_shared>>
      tpu.wait_indirect_dma semaphore(%run_scoped3A_79 : memref<!tpu.dma_semaphore, #tpu.memory_space<semaphore_mem>>) src(%arg12 : memref<128x128xf32, #tpu.memory_space<vmem>>) dst(%dma_wait3A_91 : memref<1024x128xf32, #tpu.memory_space<vmem_shared>>)
      tpu.yield
    }) : () -> ()
    %run_scoped3A_53 = arith.constant 2 : i32
    "tpu.region"() ({
      %run_scoped3A_79 = tpu.sem_alloc : memref<!tpu.dma_semaphore, #tpu.memory_space<semaphore_mem>>
      %dma_start3A_80 = arith.constant 0 : i32
      %dma_start3A_81 = tpu.memref_slice %arg11[%run_scoped3A_53, %dma_start3A_80] : memref<4x128xi32, #tpu.memory_space<vmem>> -> memref<1x128xi32, #tpu.memory_space<vmem>>
      %dma_start3A_82 = tpu.memref_squeeze %dma_start3A_81 : memref<1x128xi32, #tpu.memory_space<vmem>> -> memref<128xi32, #tpu.memory_space<vmem>>
      %dma_start3A_83 = arith.constant 0 : i32
      %dma_start3A_84 = arith.constant 0 : i32
      %dma_start3A_85 = tpu.memref_slice %arg15[%dma_start3A_83, %dma_start3A_84] : memref<1024x16xf32, #tpu.memory_space<vmem_shared>> -> memref<1024x16xf32, #tpu.memory_space<vmem_shared>>
      tpu.enqueue_indirect_dma source(%arg13 : memref<128x16xf32, #tpu.memory_space<vmem>>) target(%dma_start3A_85 : memref<1024x16xf32, #tpu.memory_space<vmem_shared>>) offsets(%dma_start3A_82 : memref<128xi32, #tpu.memory_space<vmem>>) semaphore(%run_scoped3A_79 : memref<!tpu.dma_semaphore, #tpu.memory_space<semaphore_mem>>) {add = true}
      %dma_wait3A_86 = arith.constant 0 : i32
      %dma_wait3A_87 = tpu.memref_slice %arg11[%run_scoped3A_53, %dma_wait3A_86] : memref<4x128xi32, #tpu.memory_space<vmem>> -> memref<1x128xi32, #tpu.memory_space<vmem>>
      %dma_wait3A_88 = tpu.memref_squeeze %dma_wait3A_87 : memref<1x128xi32, #tpu.memory_space<vmem>> -> memref<128xi32, #tpu.memory_space<vmem>>
      %dma_wait3A_89 = arith.constant 0 : i32
      %dma_wait3A_90 = arith.constant 0 : i32
      %dma_wait3A_91 = tpu.memref_slice %arg15[%dma_wait3A_89, %dma_wait3A_90] : memref<1024x16xf32, #tpu.memory_space<vmem_shared>> -> memref<1024x16xf32, #tpu.memory_space<vmem_shared>>
      tpu.wait_indirect_dma semaphore(%run_scoped3A_79 : memref<!tpu.dma_semaphore, #tpu.memory_space<semaphore_mem>>) src(%arg13 : memref<128x16xf32, #tpu.memory_space<vmem>>) dst(%dma_wait3A_91 : memref<1024x16xf32, #tpu.memory_space<vmem_shared>>)
      tpu.yield
    }) : () -> ()
    %dma_start3A_54 = arith.constant 3 : i32
    %dma_start3A_55 = arith.constant 0 : i32
    %dma_start3A_56 = tpu.memref_slice %arg10[%dma_start3A_54, %dma_start3A_55] : memref<4x128xi32, #tpu.memory_space<vmem>> -> memref<1x128xi32, #tpu.memory_space<vmem>>
    %dma_start3A_57 = tpu.memref_squeeze %dma_start3A_56 : memref<1x128xi32, #tpu.memory_space<vmem>> -> memref<128xi32, #tpu.memory_space<vmem>>
    %dma_start3A_58 = arith.constant 0 : i32
    %dma_start3A_59 = arith.constant 0 : i32
    %dma_start3A_60 = tpu.memref_slice %arg2[%dma_start3A_58, %dma_start3A_59] : memref<16384x128xf32, #tpu.memory_space<hbm>> -> memref<16384x128xf32, #tpu.memory_space<hbm>>
    tpu.enqueue_indirect_dma source(%dma_start3A_60 : memref<16384x128xf32, #tpu.memory_space<hbm>>) target(%arg12 : memref<128x128xf32, #tpu.memory_space<vmem>>) offsets(%dma_start3A_57 : memref<128xi32, #tpu.memory_space<vmem>>) semaphore(%arg16 : memref<!tpu.dma_semaphore, #tpu.memory_space<semaphore_mem>>)
    %dma_wait3A_61 = arith.constant 3 : i32
    %dma_wait3A_62 = arith.constant 0 : i32
    %dma_wait3A_63 = tpu.memref_slice %arg10[%dma_wait3A_61, %dma_wait3A_62] : memref<4x128xi32, #tpu.memory_space<vmem>> -> memref<1x128xi32, #tpu.memory_space<vmem>>
    %dma_wait3A_64 = tpu.memref_squeeze %dma_wait3A_63 : memref<1x128xi32, #tpu.memory_space<vmem>> -> memref<128xi32, #tpu.memory_space<vmem>>
    %dma_wait3A_65 = arith.constant 0 : i32
    %dma_wait3A_66 = arith.constant 0 : i32
    %dma_wait3A_67 = tpu.memref_slice %arg2[%dma_wait3A_65, %dma_wait3A_66] : memref<16384x128xf32, #tpu.memory_space<hbm>> -> memref<16384x128xf32, #tpu.memory_space<hbm>>
    tpu.wait_indirect_dma semaphore(%arg16 : memref<!tpu.dma_semaphore, #tpu.memory_space<semaphore_mem>>) src(%dma_wait3A_67 : memref<16384x128xf32, #tpu.memory_space<hbm>>) dst(%arg12 : memref<128x128xf32, #tpu.memory_space<vmem>>)
    %run_scoped3A_68 = arith.constant 3 : i32
    "tpu.region"() ({
      %run_scoped3A_79 = tpu.sem_alloc : memref<!tpu.dma_semaphore, #tpu.memory_space<semaphore_mem>>
      %dma_start3A_80 = arith.constant 0 : i32
      %dma_start3A_81 = tpu.memref_slice %arg11[%run_scoped3A_68, %dma_start3A_80] : memref<4x128xi32, #tpu.memory_space<vmem>> -> memref<1x128xi32, #tpu.memory_space<vmem>>
      %dma_start3A_82 = tpu.memref_squeeze %dma_start3A_81 : memref<1x128xi32, #tpu.memory_space<vmem>> -> memref<128xi32, #tpu.memory_space<vmem>>
      %dma_start3A_83 = arith.constant 0 : i32
      %dma_start3A_84 = arith.constant 0 : i32
      %dma_start3A_85 = tpu.memref_slice %arg14[%dma_start3A_83, %dma_start3A_84] : memref<1024x128xf32, #tpu.memory_space<vmem_shared>> -> memref<1024x128xf32, #tpu.memory_space<vmem_shared>>
      tpu.enqueue_indirect_dma source(%arg12 : memref<128x128xf32, #tpu.memory_space<vmem>>) target(%dma_start3A_85 : memref<1024x128xf32, #tpu.memory_space<vmem_shared>>) offsets(%dma_start3A_82 : memref<128xi32, #tpu.memory_space<vmem>>) semaphore(%run_scoped3A_79 : memref<!tpu.dma_semaphore, #tpu.memory_space<semaphore_mem>>) {add = true}
      %dma_wait3A_86 = arith.constant 0 : i32
      %dma_wait3A_87 = tpu.memref_slice %arg11[%run_scoped3A_68, %dma_wait3A_86] : memref<4x128xi32, #tpu.memory_space<vmem>> -> memref<1x128xi32, #tpu.memory_space<vmem>>
      %dma_wait3A_88 = tpu.memref_squeeze %dma_wait3A_87 : memref<1x128xi32, #tpu.memory_space<vmem>> -> memref<128xi32, #tpu.memory_space<vmem>>
      %dma_wait3A_89 = arith.constant 0 : i32
      %dma_wait3A_90 = arith.constant 0 : i32
      %dma_wait3A_91 = tpu.memref_slice %arg14[%dma_wait3A_89, %dma_wait3A_90] : memref<1024x128xf32, #tpu.memory_space<vmem_shared>> -> memref<1024x128xf32, #tpu.memory_space<vmem_shared>>
      tpu.wait_indirect_dma semaphore(%run_scoped3A_79 : memref<!tpu.dma_semaphore, #tpu.memory_space<semaphore_mem>>) src(%arg12 : memref<128x128xf32, #tpu.memory_space<vmem>>) dst(%dma_wait3A_91 : memref<1024x128xf32, #tpu.memory_space<vmem_shared>>)
      tpu.yield
    }) : () -> ()
    %run_scoped3A_69 = arith.constant 3 : i32
    "tpu.region"() ({
      %run_scoped3A_79 = tpu.sem_alloc : memref<!tpu.dma_semaphore, #tpu.memory_space<semaphore_mem>>
      %dma_start3A_80 = arith.constant 0 : i32
      %dma_start3A_81 = tpu.memref_slice %arg11[%run_scoped3A_69, %dma_start3A_80] : memref<4x128xi32, #tpu.memory_space<vmem>> -> memref<1x128xi32, #tpu.memory_space<vmem>>
      %dma_start3A_82 = tpu.memref_squeeze %dma_start3A_81 : memref<1x128xi32, #tpu.memory_space<vmem>> -> memref<128xi32, #tpu.memory_space<vmem>>
      %dma_start3A_83 = arith.constant 0 : i32
      %dma_start3A_84 = arith.constant 0 : i32
      %dma_start3A_85 = tpu.memref_slice %arg15[%dma_start3A_83, %dma_start3A_84] : memref<1024x16xf32, #tpu.memory_space<vmem_shared>> -> memref<1024x16xf32, #tpu.memory_space<vmem_shared>>
      tpu.enqueue_indirect_dma source(%arg13 : memref<128x16xf32, #tpu.memory_space<vmem>>) target(%dma_start3A_85 : memref<1024x16xf32, #tpu.memory_space<vmem_shared>>) offsets(%dma_start3A_82 : memref<128xi32, #tpu.memory_space<vmem>>) semaphore(%run_scoped3A_79 : memref<!tpu.dma_semaphore, #tpu.memory_space<semaphore_mem>>) {add = true}
      %dma_wait3A_86 = arith.constant 0 : i32
      %dma_wait3A_87 = tpu.memref_slice %arg11[%run_scoped3A_69, %dma_wait3A_86] : memref<4x128xi32, #tpu.memory_space<vmem>> -> memref<1x128xi32, #tpu.memory_space<vmem>>
      %dma_wait3A_88 = tpu.memref_squeeze %dma_wait3A_87 : memref<1x128xi32, #tpu.memory_space<vmem>> -> memref<128xi32, #tpu.memory_space<vmem>>
      %dma_wait3A_89 = arith.constant 0 : i32
      %dma_wait3A_90 = arith.constant 0 : i32
      %dma_wait3A_91 = tpu.memref_slice %arg15[%dma_wait3A_89, %dma_wait3A_90] : memref<1024x16xf32, #tpu.memory_space<vmem_shared>> -> memref<1024x16xf32, #tpu.memory_space<vmem_shared>>
      tpu.wait_indirect_dma semaphore(%run_scoped3A_79 : memref<!tpu.dma_semaphore, #tpu.memory_space<semaphore_mem>>) src(%arg13 : memref<128x16xf32, #tpu.memory_space<vmem>>) dst(%dma_wait3A_91 : memref<1024x16xf32, #tpu.memory_space<vmem_shared>>)
      tpu.yield
    }) : () -> ()
    %barrier3A_70 = arith.constant 0 : index
    tpu.barrier barrier_id(%barrier3A_70)
    %mul3A_71 = arith.constant 64 : i32
    %mul3A_72 = arith.muli %arg1, %mul3A_71 : i32
    %mul3A_73 = arith.constant 64 : i32
    %mul3A_74 = arith.muli %arg1, %mul3A_73 : i32
    "tpu.region"() ({
      %run_scoped3A_79 = tpu.sem_alloc : memref<!tpu.dma_semaphore, #tpu.memory_space<semaphore_mem>>
      %dma_start3A_80 = arith.constant 0 : i32
      %dma_start3A_81 = tpu.memref_slice %arg8[%arg0, %mul3A_74, %dma_start3A_80] : memref<2x1024x128xf32, #tpu.memory_space<hbm>> -> memref<1x64x128xf32, #tpu.memory_space<hbm>>
      %dma_start3A_82 = tpu.memref_squeeze %dma_start3A_81 : memref<1x64x128xf32, #tpu.memory_space<hbm>> -> memref<64x128xf32, #tpu.memory_space<hbm>>
      %dma_start3A_83 = arith.constant 0 : i32
      %dma_start3A_84 = tpu.memref_slice %arg14[%mul3A_72, %dma_start3A_83] : memref<1024x128xf32, #tpu.memory_space<vmem_shared>> -> memref<64x128xf32, #tpu.memory_space<vmem_shared>>
      tpu.enqueue_dma source(%dma_start3A_84 : memref<64x128xf32, #tpu.memory_space<vmem_shared>>) target(%dma_start3A_82 : memref<64x128xf32, #tpu.memory_space<hbm>>) target_semaphore(%run_scoped3A_79 : memref<!tpu.dma_semaphore, #tpu.memory_space<semaphore_mem>>)
      %dma_wait3A_85 = arith.constant 0 : i32
      %dma_wait3A_86 = tpu.memref_slice %arg8[%arg0, %mul3A_74, %dma_wait3A_85] : memref<2x1024x128xf32, #tpu.memory_space<hbm>> -> memref<1x64x128xf32, #tpu.memory_space<hbm>>
      %dma_wait3A_87 = tpu.memref_squeeze %dma_wait3A_86 : memref<1x64x128xf32, #tpu.memory_space<hbm>> -> memref<64x128xf32, #tpu.memory_space<hbm>>
      %dma_wait3A_88 = arith.constant 0 : i32
      %dma_wait3A_89 = tpu.memref_slice %arg14[%mul3A_72, %dma_wait3A_88] : memref<1024x128xf32, #tpu.memory_space<vmem_shared>> -> memref<64x128xf32, #tpu.memory_space<vmem_shared>>
      tpu.wait_dma2 semaphore(%run_scoped3A_79 : memref<!tpu.dma_semaphore, #tpu.memory_space<semaphore_mem>>) src(%dma_wait3A_89 : memref<64x128xf32, #tpu.memory_space<vmem_shared>>) dst(%dma_wait3A_87 : memref<64x128xf32, #tpu.memory_space<hbm>>)
      tpu.yield
    }) : () -> ()
    %mul3A_75 = arith.constant 64 : i32
    %mul3A_76 = arith.muli %arg1, %mul3A_75 : i32
    %mul3A_77 = arith.constant 64 : i32
    %mul3A_78 = arith.muli %arg1, %mul3A_77 : i32
    "tpu.region"() ({
      %run_scoped3A_79 = tpu.sem_alloc : memref<!tpu.dma_semaphore, #tpu.memory_space<semaphore_mem>>
      %dma_start3A_80 = arith.constant 0 : i32
      %dma_start3A_81 = tpu.memref_slice %arg9[%arg0, %mul3A_78, %dma_start3A_80] : memref<2x1024x16xf32, #tpu.memory_space<hbm>> -> memref<1x64x16xf32, #tpu.memory_space<hbm>>
      %dma_start3A_82 = tpu.memref_squeeze %dma_start3A_81 : memref<1x64x16xf32, #tpu.memory_space<hbm>> -> memref<64x16xf32, #tpu.memory_space<hbm>>
      %dma_start3A_83 = arith.constant 0 : i32
      %dma_start3A_84 = tpu.memref_slice %arg15[%mul3A_76, %dma_start3A_83] : memref<1024x16xf32, #tpu.memory_space<vmem_shared>> -> memref<64x16xf32, #tpu.memory_space<vmem_shared>>
      tpu.enqueue_dma source(%dma_start3A_84 : memref<64x16xf32, #tpu.memory_space<vmem_shared>>) target(%dma_start3A_82 : memref<64x16xf32, #tpu.memory_space<hbm>>) target_semaphore(%run_scoped3A_79 : memref<!tpu.dma_semaphore, #tpu.memory_space<semaphore_mem>>)
      %dma_wait3A_85 = arith.constant 0 : i32
      %dma_wait3A_86 = tpu.memref_slice %arg9[%arg0, %mul3A_78, %dma_wait3A_85] : memref<2x1024x16xf32, #tpu.memory_space<hbm>> -> memref<1x64x16xf32, #tpu.memory_space<hbm>>
      %dma_wait3A_87 = tpu.memref_squeeze %dma_wait3A_86 : memref<1x64x16xf32, #tpu.memory_space<hbm>> -> memref<64x16xf32, #tpu.memory_space<hbm>>
      %dma_wait3A_88 = arith.constant 0 : i32
      %dma_wait3A_89 = tpu.memref_slice %arg15[%mul3A_76, %dma_wait3A_88] : memref<1024x16xf32, #tpu.memory_space<vmem_shared>> -> memref<64x16xf32, #tpu.memory_space<vmem_shared>>
      tpu.wait_dma2 semaphore(%run_scoped3A_79 : memref<!tpu.dma_semaphore, #tpu.memory_space<semaphore_mem>>) src(%dma_wait3A_89 : memref<64x16xf32, #tpu.memory_space<vmem_shared>>) dst(%dma_wait3A_87 : memref<64x16xf32, #tpu.memory_space<hbm>>)
      tpu.yield
    }) : () -> ()
    return
  }
}

module attributes {stable_mosaic.version = 14 : i64} {
  func.func @_l0_dense_body(%arg0: i32, %arg1: memref<2x2048x64xf32, #tpu.memory_space<vmem>>, %arg2: memref<2x2048x16xf32, #tpu.memory_space<vmem>>, %arg3: memref<2048x128xf32, #tpu.memory_space<vmem>>, %arg4: memref<128x128xf32, #tpu.memory_space<vmem>>, %arg5: memref<128x128xf32, #tpu.memory_space<vmem>>, %arg6: memref<1x128xf32, #tpu.memory_space<vmem>>, %arg7: memref<2048x128xf32, #tpu.memory_space<vmem>>) attributes {dimension_semantics = [#tpu.dimension_semantics<arbitrary>], iteration_bounds = array<i64: 8>, scalar_prefetch = 0 : i64, scratch_operands = 0 : i64, tpu.core_type = #tpu.core_type<tc>, window_params = [{transform_indices = @transform_0, window_bounds = array<i64: 2, 2048, 64>}, {transform_indices = @transform_1, window_bounds = array<i64: 2, 2048, 16>}, {transform_indices = @transform_2, window_bounds = array<i64: 2048, 128>}, {pipeline_mode = #tpu.pipeline_mode<synchronous>, transform_indices = @transform_3, window_bounds = array<i64: 128, 128>}, {pipeline_mode = #tpu.pipeline_mode<synchronous>, transform_indices = @transform_4, window_bounds = array<i64: 128, 128>}, {pipeline_mode = #tpu.pipeline_mode<synchronous>, transform_indices = @transform_5, window_bounds = array<i64: 1, 128>}, {transform_indices = @transform_6, window_bounds = array<i64: 2048, 128>}]} {
    %get3A = arith.constant 0 : index
    %get3A_0 = arith.constant 0 : index
    %get3A_1 = arith.constant 0 : index
    %get3A_2 = vector.load %arg2[%get3A, %get3A_0, %get3A_1] : memref<2x2048x16xf32, #tpu.memory_space<vmem>>, vector<1x2048x16xf32>
    %get3A_3 = vector.shape_cast %get3A_2 : vector<1x2048x16xf32> to vector<2048x16xf32>
    %slice3A = vector.extract_strided_slice %get3A_3 {offsets = [0, 0], sizes = [2048, 1], strides = [1, 1]} : vector<2048x16xf32> to vector<2048x1xf32>
    %get3A_4 = arith.constant 1 : index
    %get3A_5 = arith.constant 0 : index
    %get3A_6 = arith.constant 0 : index
    %get3A_7 = vector.load %arg2[%get3A_4, %get3A_5, %get3A_6] : memref<2x2048x16xf32, #tpu.memory_space<vmem>>, vector<1x2048x16xf32>
    %get3A_8 = vector.shape_cast %get3A_7 : vector<1x2048x16xf32> to vector<2048x16xf32>
    %slice3A_9 = vector.extract_strided_slice %get3A_8 {offsets = [0, 0], sizes = [2048, 1], strides = [1, 1]} : vector<2048x16xf32> to vector<2048x1xf32>
    %add3A = arith.addf %slice3A, %slice3A_9 : vector<2048x1xf32>
    %max3A = arith.constant 1.000000e+00 : f32
    %max3A_10 = vector.broadcast %max3A : f32 to vector<2048x1xf32>
    %max3A_11 = arith.maximumf %add3A, %max3A_10 : vector<2048x1xf32>
    %div3A = arith.constant 1.000000e+00 : f32
    %div3A_12 = vector.broadcast %div3A : f32 to vector<2048x1xf32>
    %div3A_13 = arith.divf %div3A_12, %max3A_11 : vector<2048x1xf32>
    %get3A_14 = arith.constant 0 : index
    %get3A_15 = arith.constant 0 : index
    %get3A_16 = vector.load %arg4[%get3A_14, %get3A_15] : memref<128x128xf32, #tpu.memory_space<vmem>>, vector<128x128xf32>
    %get3A_17 = arith.constant 0 : index
    %get3A_18 = arith.constant 0 : index
    %get3A_19 = arith.constant 0 : index
    %get3A_20 = vector.load %arg1[%get3A_17, %get3A_18, %get3A_19] : memref<2x2048x64xf32, #tpu.memory_space<vmem>>, vector<1x2048x64xf32>
    %get3A_21 = vector.shape_cast %get3A_20 : vector<1x2048x64xf32> to vector<2048x64xf32>
    %mul3A = vector.broadcast %div3A_13 : vector<2048x1xf32> to vector<2048x64xf32>
    %mul3A_22 = arith.mulf %get3A_21, %mul3A : vector<2048x64xf32>
    %slice3A_23 = vector.extract_strided_slice %get3A_16 {offsets = [0, 0], sizes = [64, 128], strides = [1, 1]} : vector<128x128xf32> to vector<64x128xf32>
    %dot_general3A = arith.constant dense<0.000000e+00> : vector<2048x128xf32>
    %dot_general3A_24 = tpu.matmul %mul3A_22, %slice3A_23, %dot_general3A {dimension_numbers = #tpu.dot_dimension_numbers<[1], [0], [0], [1], [0, 0, 1, 1], [], []>, transpose_lhs_hint = false} : vector<2048x64xf32>, vector<64x128xf32>, vector<2048x128xf32> -> vector<2048x128xf32>
    %get3A_25 = arith.constant 1 : index
    %get3A_26 = arith.constant 0 : index
    %get3A_27 = arith.constant 0 : index
    %get3A_28 = vector.load %arg1[%get3A_25, %get3A_26, %get3A_27] : memref<2x2048x64xf32, #tpu.memory_space<vmem>>, vector<1x2048x64xf32>
    %get3A_29 = vector.shape_cast %get3A_28 : vector<1x2048x64xf32> to vector<2048x64xf32>
    %mul3A_30 = vector.broadcast %div3A_13 : vector<2048x1xf32> to vector<2048x64xf32>
    %mul3A_31 = arith.mulf %get3A_29, %mul3A_30 : vector<2048x64xf32>
    %slice3A_32 = vector.extract_strided_slice %get3A_16 {offsets = [64, 0], sizes = [64, 128], strides = [1, 1]} : vector<128x128xf32> to vector<64x128xf32>
    %dot_general3A_33 = arith.constant dense<0.000000e+00> : vector<2048x128xf32>
    %dot_general3A_34 = tpu.matmul %mul3A_31, %slice3A_32, %dot_general3A_33 {dimension_numbers = #tpu.dot_dimension_numbers<[1], [0], [0], [1], [0, 0, 1, 1], [], []>, transpose_lhs_hint = false} : vector<2048x64xf32>, vector<64x128xf32>, vector<2048x128xf32> -> vector<2048x128xf32>
    %add3A_35 = arith.addf %dot_general3A_24, %dot_general3A_34 : vector<2048x128xf32>
    %get3A_36 = arith.constant 0 : index
    %get3A_37 = arith.constant 0 : index
    %get3A_38 = vector.load %arg3[%get3A_36, %get3A_37] : memref<2048x128xf32, #tpu.memory_space<vmem>>, vector<2048x128xf32>
    %get3A_39 = arith.constant 0 : index
    %get3A_40 = arith.constant 0 : index
    %get3A_41 = vector.load %arg5[%get3A_39, %get3A_40] : memref<128x128xf32, #tpu.memory_space<vmem>>, vector<128x128xf32>
    %dot_general3A_42 = arith.constant dense<0.000000e+00> : vector<2048x128xf32>
    %dot_general3A_43 = tpu.matmul %get3A_38, %get3A_41, %dot_general3A_42 {dimension_numbers = #tpu.dot_dimension_numbers<[1], [0], [0], [1], [0, 0, 1, 1], [], []>, transpose_lhs_hint = false} : vector<2048x128xf32>, vector<128x128xf32>, vector<2048x128xf32> -> vector<2048x128xf32>
    %add3A_44 = arith.addf %add3A_35, %dot_general3A_43 : vector<2048x128xf32>
    %get3A_45 = arith.constant 0 : index
    %get3A_46 = arith.constant 0 : index
    %get3A_47 = vector.load %arg6[%get3A_45, %get3A_46] : memref<1x128xf32, #tpu.memory_space<vmem>>, vector<1x128xf32>
    %add3A_48 = vector.broadcast %get3A_47 : vector<1x128xf32> to vector<2048x128xf32>
    %add3A_49 = arith.addf %add3A_44, %add3A_48 : vector<2048x128xf32>
    %max3A_50 = arith.constant 0.000000e+00 : f32
    %max3A_51 = vector.broadcast %max3A_50 : f32 to vector<2048x128xf32>
    %max3A_52 = arith.maximumf %add3A_49, %max3A_51 : vector<2048x128xf32>
    %swap3A = arith.constant 0 : index
    %swap3A_53 = arith.constant 0 : index
    %swap3A_54 = vector.load %arg7[%swap3A, %swap3A_53] : memref<2048x128xf32, #tpu.memory_space<vmem>>, vector<2048x128xf32>
    tpu.vector_store %arg7[%swap3A, %swap3A_53], %max3A_52 {strides = array<i32>} : memref<2048x128xf32, #tpu.memory_space<vmem>>, vector<2048x128xf32>,
    return
  }
  func.func @transform_0(%arg0: i32) -> (i32, i32, i32) {
    %c0_i32 = arith.constant 0 : i32
    %c0_i32_0 = arith.constant 0 : i32
    %c0_i32_1 = arith.constant 0 : i32
    return %c0_i32, %arg0, %c0_i32_0 : i32, i32, i32
  }
  func.func @transform_1(%arg0: i32) -> (i32, i32, i32) {
    %c0_i32 = arith.constant 0 : i32
    %c0_i32_0 = arith.constant 0 : i32
    %c0_i32_1 = arith.constant 0 : i32
    return %c0_i32, %arg0, %c0_i32_0 : i32, i32, i32
  }
  func.func @transform_2(%arg0: i32) -> (i32, i32) {
    %c0_i32 = arith.constant 0 : i32
    %c0_i32_0 = arith.constant 0 : i32
    return %arg0, %c0_i32 : i32, i32
  }
  func.func @transform_3(%arg0: i32) -> (i32, i32) {
    %c0_i32 = arith.constant 0 : i32
    %c0_i32_0 = arith.constant 0 : i32
    %c0_i32_1 = arith.constant 0 : i32
    return %c0_i32, %c0_i32_0 : i32, i32
  }
  func.func @transform_4(%arg0: i32) -> (i32, i32) {
    %c0_i32 = arith.constant 0 : i32
    %c0_i32_0 = arith.constant 0 : i32
    %c0_i32_1 = arith.constant 0 : i32
    return %c0_i32, %c0_i32_0 : i32, i32
  }
  func.func @transform_5(%arg0: i32) -> (i32, i32) {
    %c0_i32 = arith.constant 0 : i32
    %c0_i32_0 = arith.constant 0 : i32
    %c0_i32_1 = arith.constant 0 : i32
    return %c0_i32, %c0_i32_0 : i32, i32
  }
  func.func @transform_6(%arg0: i32) -> (i32, i32) {
    %c0_i32 = arith.constant 0 : i32
    %c0_i32_0 = arith.constant 0 : i32
    return %arg0, %c0_i32 : i32, i32
  }
}

module attributes {stable_mosaic.version = 14 : i64} {
  func.func @_l1_dense_body(%arg0: memref<2x1024x128xf32, #tpu.memory_space<vmem>>, %arg1: memref<2x1024x16xf32, #tpu.memory_space<vmem>>, %arg2: memref<1024x128xf32, #tpu.memory_space<vmem>>, %arg3: memref<128x128xf32, #tpu.memory_space<vmem>>, %arg4: memref<128x128xf32, #tpu.memory_space<vmem>>, %arg5: memref<1x128xf32, #tpu.memory_space<vmem>>, %arg6: memref<1024x128xf32, #tpu.memory_space<vmem>>) attributes {dimension_semantics = [], scalar_prefetch = 0 : i64, scratch_operands = 0 : i64, tpu.core_type = #tpu.core_type<tc>} {
    %get3A = arith.constant 0 : index
    %get3A_0 = arith.constant 0 : index
    %get3A_1 = arith.constant 0 : index
    %get3A_2 = vector.load %arg0[%get3A, %get3A_0, %get3A_1] : memref<2x1024x128xf32, #tpu.memory_space<vmem>>, vector<1x1024x128xf32>
    %get3A_3 = vector.shape_cast %get3A_2 : vector<1x1024x128xf32> to vector<1024x128xf32>
    %get3A_4 = arith.constant 1 : index
    %get3A_5 = arith.constant 0 : index
    %get3A_6 = arith.constant 0 : index
    %get3A_7 = vector.load %arg0[%get3A_4, %get3A_5, %get3A_6] : memref<2x1024x128xf32, #tpu.memory_space<vmem>>, vector<1x1024x128xf32>
    %get3A_8 = vector.shape_cast %get3A_7 : vector<1x1024x128xf32> to vector<1024x128xf32>
    %add3A = arith.addf %get3A_3, %get3A_8 : vector<1024x128xf32>
    %get3A_9 = arith.constant 0 : index
    %get3A_10 = arith.constant 0 : index
    %get3A_11 = arith.constant 0 : index
    %get3A_12 = vector.load %arg1[%get3A_9, %get3A_10, %get3A_11] : memref<2x1024x16xf32, #tpu.memory_space<vmem>>, vector<1x1024x16xf32>
    %get3A_13 = vector.shape_cast %get3A_12 : vector<1x1024x16xf32> to vector<1024x16xf32>
    %slice3A = vector.extract_strided_slice %get3A_13 {offsets = [0, 0], sizes = [1024, 1], strides = [1, 1]} : vector<1024x16xf32> to vector<1024x1xf32>
    %get3A_14 = arith.constant 1 : index
    %get3A_15 = arith.constant 0 : index
    %get3A_16 = arith.constant 0 : index
    %get3A_17 = vector.load %arg1[%get3A_14, %get3A_15, %get3A_16] : memref<2x1024x16xf32, #tpu.memory_space<vmem>>, vector<1x1024x16xf32>
    %get3A_18 = vector.shape_cast %get3A_17 : vector<1x1024x16xf32> to vector<1024x16xf32>
    %slice3A_19 = vector.extract_strided_slice %get3A_18 {offsets = [0, 0], sizes = [1024, 1], strides = [1, 1]} : vector<1024x16xf32> to vector<1024x1xf32>
    %add3A_20 = arith.addf %slice3A, %slice3A_19 : vector<1024x1xf32>
    %max3A = arith.constant 1.000000e+00 : f32
    %max3A_21 = vector.broadcast %max3A : f32 to vector<1024x1xf32>
    %max3A_22 = arith.maximumf %add3A_20, %max3A_21 : vector<1024x1xf32>
    %div3A = vector.broadcast %max3A_22 : vector<1024x1xf32> to vector<1024x128xf32>
    %div3A_23 = arith.divf %add3A, %div3A : vector<1024x128xf32>
    %get3A_24 = arith.constant 0 : index
    %get3A_25 = arith.constant 0 : index
    %get3A_26 = vector.load %arg3[%get3A_24, %get3A_25] : memref<128x128xf32, #tpu.memory_space<vmem>>, vector<128x128xf32>
    %dot_general3A = arith.constant dense<0.000000e+00> : vector<1024x128xf32>
    %dot_general3A_27 = tpu.matmul %div3A_23, %get3A_26, %dot_general3A {dimension_numbers = #tpu.dot_dimension_numbers<[1], [0], [0], [1], [0, 0, 1, 1], [], []>, transpose_lhs_hint = false} : vector<1024x128xf32>, vector<128x128xf32>, vector<1024x128xf32> -> vector<1024x128xf32>
    %get3A_28 = arith.constant 0 : index
    %get3A_29 = arith.constant 0 : index
    %get3A_30 = vector.load %arg2[%get3A_28, %get3A_29] : memref<1024x128xf32, #tpu.memory_space<vmem>>, vector<1024x128xf32>
    %get3A_31 = arith.constant 0 : index
    %get3A_32 = arith.constant 0 : index
    %get3A_33 = vector.load %arg4[%get3A_31, %get3A_32] : memref<128x128xf32, #tpu.memory_space<vmem>>, vector<128x128xf32>
    %dot_general3A_34 = arith.constant dense<0.000000e+00> : vector<1024x128xf32>
    %dot_general3A_35 = tpu.matmul %get3A_30, %get3A_33, %dot_general3A_34 {dimension_numbers = #tpu.dot_dimension_numbers<[1], [0], [0], [1], [0, 0, 1, 1], [], []>, transpose_lhs_hint = false} : vector<1024x128xf32>, vector<128x128xf32>, vector<1024x128xf32> -> vector<1024x128xf32>
    %add3A_36 = arith.addf %dot_general3A_27, %dot_general3A_35 : vector<1024x128xf32>
    %get3A_37 = arith.constant 0 : index
    %get3A_38 = arith.constant 0 : index
    %get3A_39 = vector.load %arg5[%get3A_37, %get3A_38] : memref<1x128xf32, #tpu.memory_space<vmem>>, vector<1x128xf32>
    %add3A_40 = vector.broadcast %get3A_39 : vector<1x128xf32> to vector<1024x128xf32>
    %add3A_41 = arith.addf %add3A_36, %add3A_40 : vector<1024x128xf32>
    %reduce_max3A = arith.constant dense<0xFF800000> : vector<1024xf32>
    %reduce_max3A_42 = vector.multi_reduction <maximumf>, %add3A_41, %reduce_max3A [1] : vector<1024x128xf32> to vector<1024xf32>
    %broadcast_in_dim3A = vector.shape_cast %reduce_max3A_42 : vector<1024xf32> to vector<1024x1xf32>
    %sub3A = vector.broadcast %broadcast_in_dim3A : vector<1024x1xf32> to vector<1024x128xf32>
    %sub3A_43 = arith.subf %add3A_41, %sub3A : vector<1024x128xf32>
    %exp3A = math.exp %sub3A_43 : vector<1024x128xf32>
    %reduce_sum3A = arith.constant dense<0.000000e+00> : vector<1024xf32>
    %reduce_sum3A_44 = vector.multi_reduction <add>, %exp3A, %reduce_sum3A [1] : vector<1024x128xf32> to vector<1024xf32>
    %broadcast_in_dim3A_45 = vector.shape_cast %reduce_sum3A_44 : vector<1024xf32> to vector<1024x1xf32>
    %log3A = math.log %broadcast_in_dim3A_45 : vector<1024x1xf32>
    %sub3A_46 = vector.broadcast %broadcast_in_dim3A : vector<1024x1xf32> to vector<1024x128xf32>
    %sub3A_47 = arith.subf %add3A_41, %sub3A_46 : vector<1024x128xf32>
    %sub3A_48 = vector.broadcast %log3A : vector<1024x1xf32> to vector<1024x128xf32>
    %sub3A_49 = arith.subf %sub3A_47, %sub3A_48 : vector<1024x128xf32>
    %swap3A = arith.constant 0 : index
    %swap3A_50 = arith.constant 0 : index
    %swap3A_51 = vector.load %arg6[%swap3A, %swap3A_50] : memref<1024x128xf32, #tpu.memory_space<vmem>>, vector<1024x128xf32>
    tpu.vector_store %arg6[%swap3A, %swap3A_50], %sub3A_49 {strides = array<i32>} : memref<1024x128xf32, #tpu.memory_space<vmem>>, vector<1024x128xf32>,
    return
  }
}

</mosaic_0001>

<sc_bundles>
// kernel: kernel.6.cloned.1.call-start
scs
__scs_entry_jumppad:
0x0: {  	(pc) =	sbr.rel $0x88, $3  }
0x1: {  	(tag) =	ssettag $0x0;
	lr =	simm.s32 $0x1  }
0x2: {  	[smem:$0x3F98] =	sst lr;
	_ =	strace $0xD0000000  }
0x3: {  	_ = 	snop  }
0x4: {  	_ = 	snop  }
0x5: {  	_ = 	snop  }
0x6: {  	_ = 	snop  }
0x7: {  	_ = 	snop  }
__scs_overlays_trampoline_lowered:
0x8: {  	[smem:$0x3FA7] =	sst s0  }
0x9: {  	[smem:$0x3FA8] =	sst s1  }
0xa: {  	[smem:$0x3FA9] =	sst s2  }
0xb: {  	[smem:$0x3FAA] =	sst s3  }
0xc: {  	[smem:$0x3FAB] =	sst s4  }
0xd: {  	[smem:$0x3FAC] =	sst s5  }
0xe: {  	[smem:$0x3FAD] =	sst s6  }
0xf: {  	[smem:$0x3FAE] =	sst s7  }
0x10: {  	[smem:$0x3FAF] =	sst s8  }
0x11: {  	[smem:$0x3FB0] =	sst s9;
	s0 =	simm.s32 @!p0 $0x0  }
0x12: {  	s1 =	sld [smem:$0x3F96];
	s0 =	simm.s32 @p0 $0x1  }
0x13: {  	[smem:$0x3FB1] =	sst s0;
	s0 =	simm.s32 @!p1 $0x0  }
0x14: {  	s2 =	sld [smem:$0x3F95];
	s0 =	simm.s32 @p1 $0x1  }
0x15: {  	[smem:$0x3FB2] =	sst s0;
	s0 =	simm.s32 @!p2 $0x0  }
0x16: {  	s3 =	sld [smem:$0x3FDB];
	s0 =	simm.s32 @p2 $0x1  }
0x17: {  	s4 =	simm.s32 $0x1BF5;
	[smem:$0x3FB4] =	sst s0  }
0x18: {  	s0 =	sld [smem:$0x3F97];
	_ =	swait.ge [sflag:s4], $0x0  }
0x19: {  	s7 =	sld [smem:$0x3F98]  }
0x1a: {  	s8 =	sadd.s32 $0xFFFFE003, lr  }
0x1b: {  	s9 =	sadd.s32 $0xFFFFFEF7, lr;
	s5 =	simm.s32 $0xFFFFFFFF;
	p2 =	slt.u32 s8, $0xFFFFF086  }
0x1c: {  	p1 =	slt.u32 s9, $0xF7A;
	s5 =	simm.s32 @!p2 $0x0  }
0x1d: {  	s5 =	simm.s32 @p1 $0x1;
	p0 =	seq.s32 s7, s2  }
0x1e: {  	s7 =	smul.u32 @!p0 $0xF7A, s2;
	p2 =	seq.s32 @!p0 s5, $0x0  }
0x1f: {  	s9 =	smul.u32 $0xF7A, s1;
	s8 =	simm.s32 @!p0 $0x1BF5;
	p2 =	por !p2, p0  }
0x20: {  	[sflag:s8] =	ssyncset.s32 @!p0 $0xFFFFF086;
	s6 =	sadd.s32 @!p0 s3, s7;
	s7 =	simm.s32 @!p0 $0x108  }
0x21: {  	s3 =	sadd.s32 s3, s9;
	s6 =	sadd.s32 @!p0 $0x88, s6;
	s7 =	simm.s32 @p2 $0x1082  }
0x22: {  	[simem:s7], [sflag:s8] =	dma.local @!p0 [hbm:s6], $0xF7A  }
0x23: {  	s9 =	sor.u32 $0xD0000000, s2;
	s6 =	simm.s32 $0x108;
	_ =	swait.ge @!p0 [sflag:s8], $0x0  }
0x24: {  	s3 =	sadd.s32 $0x88, s3;
	s6 =	simm.s32 @!p1 $0x1082;
	[sflag:s4] =	ssyncset.s32 $0xFFFFF086  }
0x25: {  	[simem:s6], [sflag:s4] =	dma.local [hbm:s3], $0xF7A  }
0x26: {  	[smem:$0x3F98] =	sst s1;
	(tag) =	ssettag s2;
	_ =	strace s9  }
0x27: {  	s1 =	sld [smem:$0x3FA8]  }
0x28: {  	s2 =	sld [smem:$0x3FA9]  }
0x29: {  	s4 =	sld [smem:$0x3FAB]  }
0x2a: {  	p0 =	seq.s32 s5, $0x0;
	s5 =	sld [smem:$0x3FAC]  }
0x2b: {  	s6 =	sld [smem:$0x3FAD]  }
0x2c: {  	s7 =	sld [smem:$0x3FAE]  }
0x2d: {  	s3 =	simm.s32 $0x108;
	s8 =	sld [smem:$0x3FAF]  }
0x2e: {  	s3 =	simm.s32 @!p0 $0x1082;
	s9 =	sld [smem:$0x3FB0]  }
0x2f: {  	lr =	sadd.s32 s0, s3;
	s0 =	sld [smem:$0x3FA7]  }
0x30: {  	s3 =	sld [smem:$0x3FAA]  }
0x31: {  	[smem:$0x3FB3] =	sst s10  }
0x32: {  	s10 =	sld [smem:$0x3FB1];
	_ =	sdelay $0x3  }
0x33: {  	p0 =	seq.s32 s10, $0x1;
	s10 =	sld [smem:$0x3FB3];
	_ =	sdelay $0x3  }
0x34: {  	[smem:$0x3FB3] =	sst s10  }
0x35: {  	s10 =	sld [smem:$0x3FB2];
	_ =	sdelay $0x3  }
0x36: {  	p1 =	seq.s32 s10, $0x1;
	s10 =	sld [smem:$0x3FB3];
	_ =	sdelay $0x3  }
0x37: {  	[smem:$0x3FB3] =	sst s10  }
0x38: {  	s10 =	sld [smem:$0x3FB4]  }
0x39: {  	_ = 	snop;
	(pc) =	sbr.ind lr, $3  }
0x3a: {  	_ = 	snop  }
0x3b: {  	_ = 	snop  }
0x3c: {  	p2 =	seq.s32 s10, $0x1;
	s10 =	sld [smem:$0x3FB3]  }
0x3d: {  	_ =	shalt  }
0x3e: {  	_ =	shalt  }
0x3f: {  	_ =	shalt  }
0x40: {  	_ =	shalt  }
0x41: {  	_ =	shalt  }
0x42: {  	_ =	shalt  }
0x43: {  	_ =	shalt  }
0x44: {  	_ =	shalt  }
0x45: {  	_ =	shalt  }
0x46: {  	_ =	shalt  }
0x47: {  	_ =	shalt  }
0x48: {  	_ =	shalt  }
0x49: {  	_ =	shalt  }
0x4a: {  	_ =	shalt  }
0x4b: {  	_ =	shalt  }
0x4c: {  	_ =	shalt  }
0x4d: {  	_ =	shalt  }
0x4e: {  	_ =	shalt  }
0x4f: {  	_ =	shalt  }
0x50: {  	_ =	shalt  }
0x51: {  	_ =	shalt  }
0x52: {  	_ =	shalt  }
0x53: {  	_ =	shalt  }
0x54: {  	_ =	shalt  }
0x55: {  	_ =	shalt  }
0x56: {  	_ =	shalt  }
0x57: {  	_ =	shalt  }
0x58: {  	_ =	shalt  }
0x59: {  	_ =	shalt  }
0x5a: {  	_ =	shalt  }
0x5b: {  	_ =	shalt  }
0x5c: {  	_ =	shalt  }
0x5d: {  	_ =	shalt  }
0x5e: {  	_ =	shalt  }
0x5f: {  	_ =	shalt  }
0x60: {  	_ =	shalt  }
0x61: {  	_ =	shalt  }
0x62: {  	_ =	shalt  }
0x63: {  	_ =	shalt  }
0x64: {  	_ =	shalt  }
0x65: {  	_ =	shalt  }
0x66: {  	_ =	shalt  }
0x67: {  	_ =	shalt  }
0x68: {  	_ =	shalt  }
0x69: {  	_ =	shalt  }
0x6a: {  	_ =	shalt  }
0x6b: {  	_ =	shalt  }
0x6c: {  	_ =	shalt  }
0x6d: {  	_ =	shalt  }
0x6e: {  	_ =	shalt  }
0x6f: {  	_ =	shalt  }
0x70: {  	_ =	shalt  }
0x71: {  	_ =	shalt  }
0x72: {  	_ =	shalt  }
0x73: {  	_ =	shalt  }
0x74: {  	_ =	shalt  }
0x75: {  	_ =	shalt  }
0x76: {  	_ =	shalt  }
0x77: {  	_ =	shalt  }
0x78: {  	_ =	shalt  }
0x79: {  	_ =	shalt  }
0x7a: {  	_ =	shalt  }
0x7b: {  	_ =	shalt  }
0x7c: {  	_ =	shalt  }
0x7d: {  	_ =	shalt  }
0x7e: {  	_ =	shalt  }
0x7f: {  	_ =	shalt  }
0x80: {  	_ =	shalt  }
0x81: {  	_ =	shalt  }
0x82: {  	_ =	shalt  }
0x83: {  	_ =	shalt  }
0x84: {  	_ =	shalt  }
0x85: {  	_ =	shalt  }
0x86: {  	_ =	shalt  }
0x87: {  	_ =	shalt  }
.Lfunc_end0:
.L_simem_size_0:
called_computation_lowered:
.L_overlay_start_0:
0x88: {  	s2 =	sld [smem:$0x3FD9]  }
0x89: {  	s3 =	sld [smem:$0x3FFE];
	_ =	sdelay $0x1  }
0x8a: {  	s1 =	srdreg.scid  }
0x8b: {  	s0 =	sand.u32 $0x1, s1  }
0x8c: {  	s17 =	sshll.u32 s0, $0xA;
	s2 =	sadd.s32 s3, s2  }
0x8d: {  	s2 =	sadd.s32 s2, s17  }
0x8e: {  	[smem:$0x3FBF] =	sst s2  }
0x8f: {  	_ = 	snop  }
0x90: {  	s2 =	sld [smem:$0x3FC9]  }
0x91: {  	s18 =	sld [smem:$0x3FD0];
	(tm) =	ssettm $0x1  }
0x92: {  	s4 =	sld [smem:$0x3FFB];
	_ =	sdelay $0x3  }
0x93: {  	_ =	strace s4  }
0x94: {  	s4 =	sld [smem:$0x3FFC];
	_ =	sdelay $0x3  }
0x95: {  	_ =	strace s4  }
0x96: {  	s4 =	sld [smem:$0x3FFD];
	_ =	sdelay $0x3  }
0x97: {  	_ =	strace s4  }
0x98: {  	_ =	strace $0x8FFFFFFF  }
0x99: {  	s19 =	sld [smem:$0x3FDB];
	_ =	sdelay $0x1  }
0x9a: {  	s5 =	simm.s32 $_scs_section_size  }
0x9b: {  	s6 =	simm.s32 $_size__tile_overlayer_lowered;
	s7 =	simm.s32 $_tile_overlayer_lowered  }
0x9c: {  	s22 =	simm.s32 $0x1BFF;
	s21 =	sshll.u32 s7, $0x1;
	s4 =	sadd.s32 s5, s19  }
0x9d: {  	s8 =	simm.s32 $0x0;
	s20 =	sshll.u32 s6, $0x1;
	s6 =	sadd.s32 s21, s4  }
0x9e: {  	[timem:s8], [sflag:s22] =	dma.local [hbm:s6], s20  }
0x9f: {  	_ =	swait.ge [sflag:s22], s20  }
0xa0: {  	s5 =	ssub.s32 $0x0, s20;
	[sflag:s22] =	ssyncset.done $0x0  }
0xa1: {  	[sflag:s22] =	ssyncadd.s32 s5;
	_ =	sdelay $0x1  }
0xa2: {  	s23 =	simm.s32 $0x1B8B  }
0xa3: {  	_ =	swait.ge [sflag:s23], $0x1  }
0xa4: {  	[sflag:s23] =	ssyncset.done $0x0  }
0xa5: {  	s25 =	simm.s32 $0x1B8E;
	s24 =	sld [smem:$0x3FFE];
	[sflag:s23] =	ssyncadd.s32 $0xFFFFFFFF  }
0xa6: {  	s26 =	simm.s32 $execute0_lowered;
	[smem:$0x3FD2] =	sst s25  }
0xa7: {  	s6 =	sshll.u32 s26, $0x1;
	_ =	strace $0x80000046;
	[dreg:$0x1] =	wrdreg $0xFFFFFFFF  }
0xa8: {  	s28 =	simm.s32 $_size_execute0_lowered;
	s4 =	sadd.s32 s4, s6;
	[dreg:$0x0] =	wrdreg $0x0  }
0xa9: {  	s6 =	sshll.u32 s28, $0x1;
	[dreg:$0x2] =	wrdreg s4  }
0xaa: {  	[dreg:$0x3] =	wrdreg s6  }
0xab: {  	[dreg:$0x4] =	wrdreg $0xC0  }
0xac: {  	_ =	task [dreg:s8], $0x5FFFF  }
0xad: {  	[dreg:$0x1] =	wrdreg $0xFFFFFFFF  }
0xae: {  	[dreg:$0x0] =	wrdreg $0x60  }
0xaf: {  	[dreg:$0x2] =	wrdreg s2  }
0xb0: {  	[dreg:$0x3] =	wrdreg s24  }
0xb1: {  	[dreg:$0x4] =	wrdreg s18  }
0xb2: {  	[dreg:$0x5] =	wrdreg $0xA8000  }
0xb3: {  	[dreg:$0x6] =	wrdreg $0x1A8000  }
0xb4: {  	[dreg:$0x7] =	wrdreg $0x9  }
0xb5: {  	_ =	task.clear_ibuf [dreg:s8], $0x8FFFF;
	_ =	strace $0x90000046  }
0xb6: {  	s29 =	simm.s32 $0x9;
	_ =	strace $0x80000048  }
0xb7: {  	_ =	swait.ge [sflag:s29], $0x1  }
0xb8: {  	[sflag:s29] =	ssyncadd.s32 $0xFFFFFFFF  }
0xb9: {  	_ =	strace $0x90000048  }
0xba: {  	_ =	sfence  }
0xbb: {  	s30 =	sld [smem:$0x0];
	_ =	sdelay $0x2  }
0xbc: {  	s31 =	sshll.u32 s1, $0xD;
	s1 =	sshrl.u32 s1, $0x2  }
0xbd: {  	s3 =	sand.u32 $0x4000, s31;
	s1 =	sadd.s32 s1, s30  }
0xbe: {  	s0 =	sor.u32 s3, s0;
	s1 =	sshll.u32 s1, $0x11  }
0xbf: {  	s0 =	sor.u32 s1, s0  }
0xc0: {  	s0 =	sadd.s32 $0x8F2B, s0  }
0xc1: {  	[sflag:s0] =	ssyncadd.remote.s32 $0x1  }
0xc2: {  	_ =	sfence.sel $0xFFFF  }
0xc3: {  	[dreg:$0x0] =	wrdreg $0xFFFFFFFF;
	(pc) =	sbr.abs _section_cstart, $3  }
0xc4: {  	[dreg:$0x1] =	wrdreg $0xFFFFFFFF  }
0xc5: {  	_ =	task.clear_ibuf [dreg:s8], $0x2FFFF;
	_ =	strace $0x9FFFFFFF  }
0xc6: {  	(tm) =	ssettm $0x7FFFFFFF  }
0xc7: {  	_ =	shalt  }
tec
execute0_lowered:
.L_overlay_start_1:
0x0: {  	(tag) =	ssettag $0x1  }
0x1: {  	s1 =	rddreg [dreg:$0x0]  }
0x2: {  	s0 =	rddreg [dreg:$0x1]  }
0x3: {  	s3 =	rddreg [dreg:$0x3]  }
0x4: {  	s4 =	rddreg [dreg:$0x4];
	s2 =	simm.s32 $0x0  }
0x5: {  	s21 =	srdreg.scid;
	s13 =	stileid.u32;
	s16 =	simm.s32 $0x5  }
0x6: {  	s20 =	simm.s32 $0x1000;
	s28 =	simm.s32 $0x8000;
	s29 =	simm.s32 $0x1  }
0x7: {  	s30 =	simm.s32 $0x2;
	s31 =	simm.s32 $0x3;
	[smem:$0x7FF] =	sst s2  }
0x8: {  	s7 =	sadd.s32 $0xA800, s0;
	s8 =	sadd.s32 $0x2800, s0;
	s5 =	sadd.s32 $0x12800, s0  }
0x9: {  	s2 =	sand.u32 $0x1, s21;
	s22 =	sadd.s32 $0x12A00, s0;
	s23 =	sshll.u32 s13, $0x10  }
0xa: {  	s9 =	sshll.u32 s13, $0xE;
	_ =	strace $0x80000047;
	[dreg:$0x6] =	wrdreg s5  }
0xb: {  	s26 =	sshll.u32 s13, $0x6;
	s21 =	simm.s32 $0x80;
	[dreg:$0x7] =	wrdreg s22  }
0xc: {  	s6 =	sshll.u32 s2, $0x14;
	s10 =	sshll.u32 s2, $0x12;
	s11 =	ssub.s32 $0x2, s2  }
0xd: {  	s5 =	sadd.s32 s23, s3;
	s22 =	simm.s32 $0x2000;
	p0 =	sne.s32 s2, $0x0  }
0xe: {  	p1 =	seq.s32 s2, $0x0;
	v0 =	vmov s2;
	s2 =	simm.s32 $0x0;
	s6 =	sor.u32 s23, s6  }
0xf: {  	s10 =	sor.u32 s9, s10;
	s12 =	sshrl.u32 s11, $0x1;
	s9 =	sadd.s32 s9, s4  }
0x10: {  	s23 =	simm.s32 $0x4000;
	s6 =	sshrl.u32 s6, $0x3;
	s10 =	sshrl.u32 s10, $0x3  }
0x11: {  	s24 =	ssub.s32 s11, s12;
	s11 =	sshll.u32 s13, $0xB;
	s12 =	sor.u32 $0x1C05, s26  }
0x12: {  	s13 =	sshrl.u32 s5, $0x3;
	s14 =	sshrl.u32 s9, $0x3;
	[dreg:$0xb] =	wrdreg s12  }
0x13: {  	s26 =	simm.s32 $0x180;
	s6 =	sadd.s32 s6, s0;
	[dreg:$0xc] =	wrdreg s13  }
0x14: {  	s0 =	sadd.s32 s10, s0;
	s25 =	smax.u32 s24, $0x1;
	[dreg:$0xd] =	wrdreg s14  }
0x15: {  	s24 =	simm.s32 $0x100;
	s6 =	sadd.s32 $0x23200, s6;
	[dreg:$0xa] =	wrdreg s25  }
0x16: {  	s0 =	sadd.s32 $0x13200, s0;
	s25 =	simm.s32 $0x6000;
	[dreg:$0x8] =	wrdreg s6  }
0x17: {  	[dreg:$0x9] =	wrdreg s0;
	s0 =	simm.s32 $0x4;
	s6 =	simm.s32 $0x1E00  }
.LBB2_1:
0x18: {  	s5 =	simm.s32 $0x0;
	s9 =	rddreg [dreg:$0x6];
	s10 =	simm.s32 $0xA000  }
0x19: {  	[tilespmem:s10], [sflag:$0x5] =	stream.linear.gather [hbm4b:s9+s5], $0x800, $0x38;
	[tilespmem:$0x1E800] =	vst v63  }
0x1a: {  	_ =	swait.ge [sflag:s16], $0x800  }
0x1b: {  	[sflag:s16] =	ssyncset.done $0x0  }
0x1c: {  	[sflag:s16] =	ssyncadd.s32 $0xFFFFF800  }
0x1d: {  	s18 =	rddreg [dreg:$0x2]  }
0x1e: {  	[spmem:s13], [sflag:s12] =	dma.local [hbm:s18], $0x2000  }
0x1f: {  	_ =	swait.ge [sflag:s16], $0x2000  }
0x20: {  	[sflag:s16] =	ssyncset.done $0x0  }
0x21: {  	s19 =	rddreg [dreg:$0x7];
	[sflag:s16] =	ssyncadd.s32 $0xFFFFE000  }
0x22: {  	[spmem:s14], [sflag:s12] =	dma.local [hbm:s19], $0x800  }
0x23: {  	_ =	swait.ge [sflag:s16], $0x800  }
0x24: {  	[sflag:s16] =	ssyncset.done $0x0  }
0x25: {  	[sflag:s16] =	ssyncadd.s32 $0xFFFFF800  }
0x26: {  	s5 =	simm.s32 $0x0;
	[bflag:$0x0] =	sbarrier.arrive $0xFFFF  }
.LBB2_2:
0x27: {  	s9 =	sshll.u32 s5, $0x9  }
0x28: {  	s9 =	sadd.s32 s11, s9  }
0x29: {  	s12 =	simm.s32 $0x0;
	s10 =	sadd.s32 s7, s9  }
0x2a: {  	[tilespmem:s12], [sflag:$0x5] =	stream.linear.gather [hbm4b:s10+s12], $0x1000, $0x38;
	[tilespmem:$0x1E800] =	vst v63  }
0x2b: {  	_ =	swait.ge [sflag:s16], $0x1000  }
0x2c: {  	[sflag:s16] =	ssyncset.done $0x0  }
0x2d: {  	s9 =	sadd.s32 s8, s9;
	[sflag:s16] =	ssyncadd.s32 $0xFFFFF000  }
0x2e: {  	[tilespmem:s20], [sflag:$0x5] =	stream.linear.gather [hbm4b:s9+s12], $0x1000, $0x38;
	[tilespmem:$0x1E800] =	vst v63  }
0x2f: {  	_ =	swait.ge [sflag:s16], $0x1000  }
0x30: {  	[sflag:s16] =	ssyncset.done $0x0  }
0x31: {  	s9 =	simm.s32 $0x0;
	[sflag:s16] =	ssyncadd.s32 $0xFFFFF000  }
0x32: {  	v2 =	vld [tilespmem:s9+$0x0]  }
0x33: {  	v3 =	vld [tilespmem:s9+$0x10]  }
0x34: {  	v5 =	vld [tilespmem:s9+$0x20]  }
0x35: {  	v4 =	vld [tilespmem:s9+$0x30]  }
0x36: {  	v1 =	vld [tilespmem:s9+$0x40]  }
0x37: {  	v6 =	vshll.u32 v2, $0x1;
	v2 =	vld [tilespmem:s9+$0x50]  }
0x38: {  	s10 =	simm.s32 $0x200;
	v7 =	vshll.u32 v3, $0x1;
	v3 =	vld [tilespmem:s9+$0x60];
	v6 =	vor.u32 v0, v6  }
.LBB2_3:
0x39: {  	s12 =	sshra.s32 s10, $0x2;
	p2 =	sne.s32 s10, $0x3E00;
	[tilespmem:s9+$0x0] =	vst v6;
	v6 =	vor.u32 v0, v7;
	v5 =	vshll.u32 v5, $0x1;
	v7 =	vld [tilespmem:s9+$0x70]  }
0x3a: {  	v8 =	vld [tilespmem:s12+$0x0];
	[tilespmem:s9+$0x10] =	vst v6;
	v5 =	vor.u32 v0, v5;
	v4 =	vshll.u32 v4, $0x1  }
0x3b: {  	v9 =	vld [tilespmem:s12+$0x10];
	[tilespmem:s9+$0x20] =	vst v5;
	v4 =	vor.u32 v0, v4;
	v1 =	vshll.u32 v1, $0x1  }
.Ltmp0:
0x3c: {  	v5 =	vld [tilespmem:s12+$0x20];
	[tilespmem:s9+$0x30] =	vst v4;
	v1 =	vor.u32 v0, v1;
	v2 =	vshll.u32 v2, $0x1;
	(pc) =	sbr.rel @p2 .LBB2_3-.Ltmp0, $4  }
0x3d: {  	v4 =	vld [tilespmem:s12+$0x30];
	[tilespmem:s9+$0x40] =	vst v1;
	v2 =	vor.u32 v0, v2;
	v3 =	vshll.u32 v3, $0x1  }
0x3e: {  	v1 =	vld [tilespmem:s12+$0x40];
	[tilespmem:s9+$0x50] =	vst v2;
	v3 =	vor.u32 v0, v3;
	v6 =	vshll.u32 v7, $0x1  }
0x3f: {  	v7 =	vshll.u32 v8, $0x1;
	v2 =	vld [tilespmem:s12+$0x50];
	[tilespmem:s9+$0x60] =	vst v3;
	v8 =	vor.u32 v0, v6  }
0x40: {  	s10 =	sadd.s32 $0x200, s10;
	v6 =	vor.u32 v0, v7;
	v7 =	vshll.u32 v9, $0x1;
	v3 =	vld [tilespmem:s12+$0x60];
	[tilespmem:s9+$0x70] =	vst v8;
	s9 =	smov.u32 s12  }
0x41: {  	[tilespmem:s9+$0x0] =	vst v6;
	v62 =	vor.u32 v0, v7;
	v5 =	vshll.u32 v5, $0x1;
	v63 =	vld [tilespmem:s9+$0x70]  }
0x42: {  	[tilespmem:s9+$0x10] =	vst v62;
	v5 =	vor.u32 v0, v5;
	v4 =	vshll.u32 v4, $0x1  }
0x43: {  	[tilespmem:s9+$0x20] =	vst v5;
	v4 =	vor.u32 v0, v4;
	v1 =	vshll.u32 v1, $0x1  }
0x44: {  	[tilespmem:s9+$0x30] =	vst v4;
	v1 =	vor.u32 v0, v1;
	v2 =	vshll.u32 v2, $0x1  }
0x45: {  	[tilespmem:s9+$0x40] =	vst v1;
	v1 =	vor.u32 v0, v2;
	v2 =	vshll.u32 v3, $0x1  }
0x46: {  	[tilespmem:s9+$0x50] =	vst v1;
	v1 =	vor.u32 v0, v2;
	v2 =	vshll.u32 v63, $0x1  }
0x47: {  	[tilespmem:s9+$0x60] =	vst v1;
	v1 =	vor.u32 v0, v2  }
0x48: {  	s13 =	simm.s32 $0x0;
	[tilespmem:s9+$0x70] =	vst v1  }
0x49: {  	[tilespmem:s22], [sflag:$0x1] =	stream.indirect.gather [hbm4b:s1+s21], $0x40, s13, s21, $0xb8;
	[tilespmem:$0x1E800] =	vst v63  }
0x4a: {  	_ = 	snop  }
0x4b: {  	[tilespmem:s23], [sflag:$0x2] =	stream.indirect.gather [hbm4b:s1+s21], $0x40, s21, s21, $0xb8;
	[tilespmem:$0x1E800] =	vst v63  }
0x4c: {  	_ = 	snop  }
0x4d: {  	[tilespmem:s25], [sflag:$0x3] =	stream.indirect.gather [hbm4b:s1+s21], $0x40, s24, s21, $0xb8;
	[tilespmem:$0x1E800] =	vst v63  }
0x4e: {  	_ = 	snop  }
0x4f: {  	[tilespmem:s28], [sflag:$0x4] =	stream.indirect.gather [hbm4b:s1+s21], $0x40, s26, s21, $0xb8;
	[tilespmem:$0x1E800] =	vst v63  }
0x50: {  	_ =	swait.ge [sflag:s29], $0x2000  }
0x51: {  	[sflag:s29] =	ssyncset.done $0x0  }
0x52: {  	s12 =	simm.s32 $0x1000;
	[sflag:s29] =	ssyncadd.s32 $0xFFFFE000  }
0x53: {  	[spmem:s3] =	stream.indirect.scatter.add.f32 [tilespmem:s22], [sflag:$0x5], $0x40, s12, s21, $0xb8;
	[tilespmem:$0x1E800] =	vst v63  }
0x54: {  	_ =	swait.ge [sflag:s16], $0x2000  }
0x55: {  	s15 =	simm.s32 @!p0 $0x5;
	[sflag:s16] =	ssyncset.done $0x0  }
0x56: {  	s10 =	simm.s32 @!p0 $0xA000;
	s9 =	simm.s32 @!p0 $0x80;
	[sflag:s16] =	ssyncadd.s32 $0xFFFFE000  }
0x57: {  	[spmem:s4] =	stream.indirect.scatter.add.f32 @!p0 [tilespmem:s10], [sflag:$0x5], $0x10, s12, s9, $0xb8;
	[tilespmem:$0x1E800] =	vst v63  }
0x58: {  	_ =	swait.ge @!p0 [sflag:s15], $0x800  }
0x59: {  	[sflag:s15] =	ssyncset.done @!p0 $0x0  }
0x5a: {  	s14 =	simm.s32 $0x200;
	[sflag:s15] =	ssyncadd.s32 @!p0 $0xFFFFF800  }
0x5b: {  	[tilespmem:s22], [sflag:$0x1] =	stream.indirect.gather [hbm4b:s1+s21], $0x40, s14, s21, $0xb8;
	[tilespmem:$0x1E800] =	vst v63  }
0x5c: {  	_ =	swait.ge [sflag:s30], $0x2000  }
0x5d: {  	[sflag:s30] =	ssyncset.done $0x0  }
0x5e: {  	s18 =	simm.s32 $0x1080;
	[sflag:s30] =	ssyncadd.s32 $0xFFFFE000  }
0x5f: {  	[spmem:s3] =	stream.indirect.scatter.add.f32 [tilespmem:s23], [sflag:$0x5], $0x40, s18, s21, $0xb8;
	[tilespmem:$0x1E800] =	vst v63  }
0x60: {  	_ =	swait.ge [sflag:s16], $0x2000  }
0x61: {  	s13 =	simm.s32 @!p1 $0x80;
	[sflag:s16] =	ssyncset.done $0x0  }
0x62: {  	s12 =	simm.s32 @!p1 $0x5;
	s14 =	simm.s32 @!p1 $0xA000;
	[sflag:s16] =	ssyncadd.s32 $0xFFFFE000  }
0x63: {  	[spmem:s4] =	stream.indirect.scatter.add.f32 @!p1 [tilespmem:s14], [sflag:$0x5], $0x10, s18, s13, $0xb8;
	[tilespmem:$0x1E800] =	vst v63  }
0x64: {  	_ =	swait.ge @!p1 [sflag:s12], $0x800  }
0x65: {  	[sflag:s12] =	ssyncset.done @!p1 $0x0  }
0x66: {  	s17 =	simm.s32 $0x280;
	[sflag:s12] =	ssyncadd.s32 @!p1 $0xFFFFF800  }
0x67: {  	[tilespmem:s23], [sflag:$0x2] =	stream.indirect.gather [hbm4b:s1+s21], $0x40, s17, s21, $0xb8;
	[tilespmem:$0x1E800] =	vst v63  }
0x68: {  	_ =	swait.ge [sflag:s31], $0x2000  }
0x69: {  	[sflag:s31] =	ssyncset.done $0x0  }
0x6a: {  	s18 =	simm.s32 $0x1100;
	[sflag:s31] =	ssyncadd.s32 $0xFFFFE000  }
0x6b: {  	[spmem:s3] =	stream.indirect.scatter.add.f32 [tilespmem:s25], [sflag:$0x5], $0x40, s18, s21, $0xb8;
	[tilespmem:$0x1E800] =	vst v63  }
0x6c: {  	_ =	swait.ge [sflag:s16], $0x2000  }
0x6d: {  	[sflag:s16] =	ssyncset.done $0x0  }
0x6e: {  	[sflag:s16] =	ssyncadd.s32 $0xFFFFE000  }
0x6f: {  	[spmem:s4] =	stream.indirect.scatter.add.f32 @!p0 [tilespmem:s10], [sflag:$0x5], $0x10, s18, s9, $0xb8;
	[tilespmem:$0x1E800] =	vst v63  }
0x70: {  	_ =	swait.ge @!p0 [sflag:s15], $0x800  }
0x71: {  	[sflag:s15] =	ssyncset.done @!p0 $0x0  }
0x72: {  	s19 =	simm.s32 $0x300;
	[sflag:s15] =	ssyncadd.s32 @!p0 $0xFFFFF800  }
0x73: {  	[tilespmem:s25], [sflag:$0x3] =	stream.indirect.gather [hbm4b:s1+s21], $0x40, s19, s21, $0xb8;
	[tilespmem:$0x1E800] =	vst v63  }
0x74: {  	_ =	swait.ge [sflag:s0], $0x2000  }
0x75: {  	[sflag:s0] =	ssyncset.done $0x0  }
0x76: {  	s18 =	simm.s32 $0x1180;
	[sflag:s0] =	ssyncadd.s32 $0xFFFFE000  }
0x77: {  	[spmem:s3] =	stream.indirect.scatter.add.f32 [tilespmem:s28], [sflag:$0x5], $0x40, s18, s21, $0xb8;
	[tilespmem:$0x1E800] =	vst v63  }
0x78: {  	_ =	swait.ge [sflag:s16], $0x2000  }
0x79: {  	[sflag:s16] =	ssyncset.done $0x0  }
0x7a: {  	[sflag:s16] =	ssyncadd.s32 $0xFFFFE000  }
0x7b: {  	[spmem:s4] =	stream.indirect.scatter.add.f32 @!p1 [tilespmem:s14], [sflag:$0x5], $0x10, s18, s13, $0xb8;
	[tilespmem:$0x1E800] =	vst v63  }
0x7c: {  	_ =	swait.ge @!p1 [sflag:s12], $0x800  }
0x7d: {  	[sflag:s12] =	ssyncset.done @!p1 $0x0  }
0x7e: {  	s19 =	simm.s32 $0x380;
	s18 =	simm.s32 $0x800;
	[sflag:s12] =	ssyncadd.s32 @!p1 $0xFFFFF800  }
.LBB2_5:
0x7f: {  	[tilespmem:s28], [sflag:$0x4] =	stream.indirect.gather [hbm4b:s1+s21], $0x40, s19, s21, $0xb8;
	[tilespmem:$0x1E800] =	vst v63  }
0x80: {  	s19 =	smov.u32 s18;
	s18 =	sadd.s32 $0x800, s18;
	_ =	swait.ge [sflag:s29], $0x2000  }
0x81: {  	s19 =	sshra.s32 s19, $0x2;
	p2 =	sne.s32 s18, $0x3800;
	[sflag:s29] =	ssyncset.done $0x0  }
0x82: {  	s17 =	sadd.s32 $0x1000, s19;
	[sflag:s29] =	ssyncadd.s32 $0xFFFFE000  }
0x83: {  	[spmem:s3] =	stream.indirect.scatter.add.f32 [tilespmem:s22], [sflag:$0x5], $0x40, s17, s21, $0xb8;
	[tilespmem:$0x1E800] =	vst v63  }
0x84: {  	_ =	swait.ge [sflag:s16], $0x2000  }
0x85: {  	[sflag:s16] =	ssyncset.done $0x0  }
0x86: {  	[sflag:s16] =	ssyncadd.s32 $0xFFFFE000  }
0x87: {  	[spmem:s4] =	stream.indirect.scatter.add.f32 @!p0 [tilespmem:s10], [sflag:$0x5], $0x10, s17, s9, $0xb8;
	[tilespmem:$0x1E800] =	vst v63  }
0x88: {  	_ =	swait.ge @!p0 [sflag:s15], $0x800  }
0x89: {  	[sflag:s15] =	ssyncset.done @!p0 $0x0  }
0x8a: {  	s17 =	sadd.s32 $0x200, s19;
	[sflag:s15] =	ssyncadd.s32 @!p0 $0xFFFFF800  }
0x8b: {  	[tilespmem:s22], [sflag:$0x1] =	stream.indirect.gather [hbm4b:s1+s21], $0x40, s17, s21, $0xb8;
	[tilespmem:$0x1E800] =	vst v63  }
0x8c: {  	_ =	swait.ge [sflag:s30], $0x2000  }
0x8d: {  	[sflag:s30] =	ssyncset.done $0x0  }
0x8e: {  	s17 =	sadd.s32 $0x1080, s19;
	[sflag:s30] =	ssyncadd.s32 $0xFFFFE000  }
0x8f: {  	[spmem:s3] =	stream.indirect.scatter.add.f32 [tilespmem:s23], [sflag:$0x5], $0x40, s17, s21, $0xb8;
	[tilespmem:$0x1E800] =	vst v63  }
0x90: {  	_ =	swait.ge [sflag:s16], $0x2000  }
0x91: {  	[sflag:s16] =	ssyncset.done $0x0  }
0x92: {  	[sflag:s16] =	ssyncadd.s32 $0xFFFFE000  }
0x93: {  	[spmem:s4] =	stream.indirect.scatter.add.f32 @!p1 [tilespmem:s14], [sflag:$0x5], $0x10, s17, s13, $0xb8;
	[tilespmem:$0x1E800] =	vst v63  }
0x94: {  	_ =	swait.ge @!p1 [sflag:s12], $0x800  }
0x95: {  	[sflag:s12] =	ssyncset.done @!p1 $0x0  }
0x96: {  	s17 =	sadd.s32 $0x280, s19;
	[sflag:s12] =	ssyncadd.s32 @!p1 $0xFFFFF800  }
0x97: {  	[tilespmem:s23], [sflag:$0x2] =	stream.indirect.gather [hbm4b:s1+s21], $0x40, s17, s21, $0xb8;
	[tilespmem:$0x1E800] =	vst v63  }
0x98: {  	_ =	swait.ge [sflag:s31], $0x2000  }
0x99: {  	[sflag:s31] =	ssyncset.done $0x0  }
0x9a: {  	s17 =	sadd.s32 $0x1100, s19;
	[sflag:s31] =	ssyncadd.s32 $0xFFFFE000  }
0x9b: {  	[spmem:s3] =	stream.indirect.scatter.add.f32 [tilespmem:s25], [sflag:$0x5], $0x40, s17, s21, $0xb8;
	[tilespmem:$0x1E800] =	vst v63  }
0x9c: {  	_ =	swait.ge [sflag:s16], $0x2000  }
0x9d: {  	[sflag:s16] =	ssyncset.done $0x0  }
0x9e: {  	[sflag:s16] =	ssyncadd.s32 $0xFFFFE000  }
0x9f: {  	[spmem:s4] =	stream.indirect.scatter.add.f32 @!p0 [tilespmem:s10], [sflag:$0x5], $0x10, s17, s9, $0xb8;
	[tilespmem:$0x1E800] =	vst v63  }
0xa0: {  	_ =	swait.ge @!p0 [sflag:s15], $0x800  }
0xa1: {  	[sflag:s15] =	ssyncset.done @!p0 $0x0  }
0xa2: {  	s17 =	sadd.s32 $0x300, s19;
	[sflag:s15] =	ssyncadd.s32 @!p0 $0xFFFFF800  }
0xa3: {  	[tilespmem:s25], [sflag:$0x3] =	stream.indirect.gather [hbm4b:s1+s21], $0x40, s17, s21, $0xb8;
	[tilespmem:$0x1E800] =	vst v63  }
0xa4: {  	_ =	swait.ge [sflag:s0], $0x2000  }
0xa5: {  	[sflag:s0] =	ssyncset.done $0x0  }
0xa6: {  	s17 =	sadd.s32 $0x1180, s19;
	[sflag:s0] =	ssyncadd.s32 $0xFFFFE000  }
0xa7: {  	[spmem:s3] =	stream.indirect.scatter.add.f32 [tilespmem:s28], [sflag:$0x5], $0x40, s17, s21, $0xb8;
	[tilespmem:$0x1E800] =	vst v63  }
0xa8: {  	_ =	swait.ge [sflag:s16], $0x2000  }
0xa9: {  	[sflag:s16] =	ssyncset.done $0x0  }
.Ltmp1:
0xaa: {  	[sflag:s16] =	ssyncadd.s32 $0xFFFFE000;
	(pc) =	sbr.rel @p2 .LBB2_5-.Ltmp1, $4  }
0xab: {  	[spmem:s4] =	stream.indirect.scatter.add.f32 @!p1 [tilespmem:s14], [sflag:$0x5], $0x10, s17, s13, $0xb8;
	[tilespmem:$0x1E800] =	vst v63  }
0xac: {  	_ =	swait.ge @!p1 [sflag:s12], $0x800  }
0xad: {  	[sflag:s12] =	ssyncset.done @!p1 $0x0  }
0xae: {  	s19 =	sadd.s32 $0x380, s19;
	[sflag:s12] =	ssyncadd.s32 @!p1 $0xFFFFF800  }
0xaf: {  	[tilespmem:s28], [sflag:$0x4] =	stream.indirect.gather [hbm4b:s1+s21], $0x40, s19, s21, $0xb8;
	[tilespmem:$0x1E800] =	vst v63  }
0xb0: {  	_ =	swait.ge [sflag:s29], $0x2000  }
0xb1: {  	[sflag:s29] =	ssyncset.done $0x0  }
0xb2: {  	[sflag:s29] =	ssyncadd.s32 $0xFFFFE000  }
0xb3: {  	[spmem:s3] =	stream.indirect.scatter.add.f32 [tilespmem:s22], [sflag:$0x5], $0x40, s6, s21, $0xb8;
	[tilespmem:$0x1E800] =	vst v63  }
0xb4: {  	_ =	swait.ge [sflag:s16], $0x2000  }
0xb5: {  	[sflag:s16] =	ssyncset.done $0x0  }
0xb6: {  	s12 =	simm.s32 @p0 $0x2;
	[sflag:s16] =	ssyncadd.s32 $0xFFFFE000  }
0xb7: {  	_ =	swait.ge @p0 [sflag:s12], $0x2000  }
0xb8: {  	s13 =	simm.s32 @p0 $0x1E80;
	[sflag:s12] =	ssyncset.done @p0 $0x0  }
0xb9: {  	s14 =	simm.s32 @p0 $0x4000;
	[sflag:s12] =	ssyncadd.s32 @p0 $0xFFFFE000;
	s12 =	simm.s32 @p0 $0x80  }
0xba: {  	[spmem:s3] =	stream.indirect.scatter.add.f32 @p0 [tilespmem:s14], [sflag:$0x5], $0x40, s13, s12, $0xb8;
	[tilespmem:$0x1E800] =	vst v63  }
0xbb: {  	s14 =	simm.s32 @p0 $0x5  }
0xbc: {  	_ =	swait.ge @p0 [sflag:s14], $0x2000  }
0xbd: {  	[sflag:s14] =	ssyncset.done @p0 $0x0  }
0xbe: {  	s17 =	simm.s32 @p0 $0xA000;
	[sflag:s14] =	ssyncadd.s32 @p0 $0xFFFFE000  }
0xbf: {  	[spmem:s4] =	stream.indirect.scatter.add.f32 @p0 [tilespmem:s17], [sflag:$0x5], $0x10, s13, s12, $0xb8;
	[tilespmem:$0x1E800] =	vst v63  }
0xc0: {  	_ =	swait.ge @p0 [sflag:s14], $0x800  }
0xc1: {  	[sflag:s14] =	ssyncset.done @p0 $0x0  }
0xc2: {  	s13 =	simm.s32 @p0 $0x3;
	[sflag:s14] =	ssyncadd.s32 @p0 $0xFFFFF800  }
0xc3: {  	_ =	swait.ge @p0 [sflag:s13], $0x2000  }
0xc4: {  	[sflag:s13] =	ssyncset.done @p0 $0x0  }
0xc5: {  	s18 =	simm.s32 @p0 $0x6000;
	[sflag:s13] =	ssyncadd.s32 @p0 $0xFFFFE000;
	s13 =	simm.s32 @p0 $0x1F00  }
0xc6: {  	[spmem:s3] =	stream.indirect.scatter.add.f32 @p0 [tilespmem:s18], [sflag:$0x5], $0x40, s13, s12, $0xb8;
	[tilespmem:$0x1E800] =	vst v63  }
0xc7: {  	_ =	swait.ge @p0 [sflag:s14], $0x2000  }
0xc8: {  	[sflag:s14] =	ssyncset.done @p0 $0x0  }
0xc9: {  	s13 =	simm.s32 @p0 $0x4;
	[sflag:s14] =	ssyncadd.s32 @p0 $0xFFFFE000  }
0xca: {  	_ =	swait.ge @p0 [sflag:s13], $0x2000  }
0xcb: {  	[sflag:s13] =	ssyncset.done @p0 $0x0  }
0xcc: {  	s18 =	simm.s32 @p0 $0x8000;
	[sflag:s13] =	ssyncadd.s32 @p0 $0xFFFFE000;
	s13 =	simm.s32 @p0 $0x1F80  }
0xcd: {  	[spmem:s3] =	stream.indirect.scatter.add.f32 @p0 [tilespmem:s18], [sflag:$0x5], $0x40, s13, s12, $0xb8;
	[tilespmem:$0x1E800] =	vst v63  }
0xce: {  	_ =	swait.ge @p0 [sflag:s14], $0x2000  }
0xcf: {  	[sflag:s14] =	ssyncset.done @p0 $0x0  }
0xd0: {  	[sflag:s14] =	ssyncadd.s32 @p0 $0xFFFFE000  }
0xd1: {  	[spmem:s4] =	stream.indirect.scatter.add.f32 @p0 [tilespmem:s17], [sflag:$0x5], $0x10, s13, s12, $0xb8;
	[tilespmem:$0x1E800] =	vst v63  }
0xd2: {  	_ =	swait.ge @p0 [sflag:s14], $0x800  }
0xd3: {  	[sflag:s14] =	ssyncset.done @p0 $0x0  }
0xd4: {  	s12 =	simm.s32 @!p0 $0x1E00;
	[sflag:s14] =	ssyncadd.s32 @p0 $0xFFFFF800  }
0xd5: {  	[spmem:s4] =	stream.indirect.scatter.add.f32 @!p0 [tilespmem:s10], [sflag:$0x5], $0x10, s12, s9, $0xb8;
	[tilespmem:$0x1E800] =	vst v63  }
0xd6: {  	_ =	swait.ge @!p0 [sflag:s15], $0x800  }
0xd7: {  	[sflag:s15] =	ssyncset.done @!p0 $0x0  }
0xd8: {  	s12 =	simm.s32 @!p0 $0x2;
	[sflag:s15] =	ssyncadd.s32 @!p0 $0xFFFFF800  }
0xd9: {  	_ =	swait.ge @!p0 [sflag:s12], $0x2000  }
0xda: {  	[sflag:s12] =	ssyncset.done @!p0 $0x0  }
0xdb: {  	s13 =	simm.s32 @!p0 $0x4000;
	[sflag:s12] =	ssyncadd.s32 @!p0 $0xFFFFE000;
	s12 =	simm.s32 @!p0 $0x1E80  }
0xdc: {  	[spmem:s3] =	stream.indirect.scatter.add.f32 @!p0 [tilespmem:s13], [sflag:$0x5], $0x40, s12, s9, $0xb8;
	[tilespmem:$0x1E800] =	vst v63  }
0xdd: {  	_ =	swait.ge @!p0 [sflag:s15], $0x2000  }
0xde: {  	[sflag:s15] =	ssyncset.done @!p0 $0x0  }
0xdf: {  	s12 =	simm.s32 @!p0 $0x3;
	[sflag:s15] =	ssyncadd.s32 @!p0 $0xFFFFE000  }
0xe0: {  	_ =	swait.ge @!p0 [sflag:s12], $0x2000  }
0xe1: {  	[sflag:s12] =	ssyncset.done @!p0 $0x0  }
0xe2: {  	s13 =	simm.s32 @!p0 $0x6000;
	[sflag:s12] =	ssyncadd.s32 @!p0 $0xFFFFE000;
	s12 =	simm.s32 @!p0 $0x1F00  }
0xe3: {  	[spmem:s3] =	stream.indirect.scatter.add.f32 @!p0 [tilespmem:s13], [sflag:$0x5], $0x40, s12, s9, $0xb8;
	[tilespmem:$0x1E800] =	vst v63  }
0xe4: {  	_ =	swait.ge @!p0 [sflag:s15], $0x2000  }
0xe5: {  	[sflag:s15] =	ssyncset.done @!p0 $0x0  }
0xe6: {  	[sflag:s15] =	ssyncadd.s32 @!p0 $0xFFFFE000  }
0xe7: {  	[spmem:s4] =	stream.indirect.scatter.add.f32 @!p0 [tilespmem:s10], [sflag:$0x5], $0x10, s12, s9, $0xb8;
	[tilespmem:$0x1E800] =	vst v63  }
0xe8: {  	_ =	swait.ge @!p0 [sflag:s15], $0x800  }
0xe9: {  	[sflag:s15] =	ssyncset.done @!p0 $0x0  }
0xea: {  	s10 =	simm.s32 @!p0 $0x4;
	[sflag:s15] =	ssyncadd.s32 @!p0 $0xFFFFF800  }
0xeb: {  	s5 =	sadd.s32 $0x1, s5;
	_ =	swait.ge @!p0 [sflag:s10], $0x2000  }
0xec: {  	p2 =	sne.s32 s5, $0x4;
	s12 =	simm.s32 @!p0 $0x8000;
	[sflag:s10] =	ssyncset.done @!p0 $0x0  }
.Ltmp2:
0xed: {  	[sflag:s10] =	ssyncadd.s32 @!p0 $0xFFFFE000;
	s10 =	simm.s32 @!p0 $0x1F80;
	(pc) =	sbr.rel @p2 .LBB2_2-.Ltmp2, $4  }
0xee: {  	[spmem:s3] =	stream.indirect.scatter.add.f32 @!p0 [tilespmem:s12], [sflag:$0x5], $0x40, s10, s9, $0xb8;
	[tilespmem:$0x1E800] =	vst v63  }
0xef: {  	_ =	swait.ge @!p0 [sflag:s15], $0x2000  }
0xf0: {  	[sflag:s15] =	ssyncset.done @!p0 $0x0  }
0xf1: {  	[sflag:s15] =	ssyncadd.s32 @!p0 $0xFFFFE000  }
0xf2: {  	[bflag:$0x0] =	sbarrier.arrive $0xFFFF  }
0xf3: {  	s5 =	rddreg [dreg:$0x8]  }
0xf4: {  	s12 =	rddreg [dreg:$0xb]  }
0xf5: {  	s13 =	rddreg [dreg:$0xc]  }
0xf6: {  	[hbm:s5], [sflag:s12] =	dma.local [spmem:s13], $0x2000  }
0xf7: {  	_ =	swait.ge [sflag:s16], $0x2000  }
0xf8: {  	[sflag:s16] =	ssyncset.done $0x0;
	s18 =	rddreg [dreg:$0x9]  }
0xf9: {  	s14 =	rddreg [dreg:$0xd];
	[sflag:s16] =	ssyncadd.s32 $0xFFFFE000  }
0xfa: {  	[hbm:s18], [sflag:s12] =	dma.local [spmem:s14], $0x800  }
0xfb: {  	_ =	swait.ge [sflag:s16], $0x800  }
0xfc: {  	s2 =	sadd.s32 $0x1, s2;
	s19 =	rddreg [dreg:$0xa]  }
0xfd: {  	p2 =	sne.s32 s2, s19  }
.Ltmp3:
0xfe: {  	_ = 	snop;
	(pc) =	sbr.rel @p2 .LBB2_1-.Ltmp3, $3  }
0xff: {  	_ =	sdelay $0x1  }
0x100: {  	[sflag:s16] =	ssyncset.done $0x0  }
0x101: {  	[sflag:s16] =	ssyncadd.s32 $0xFFFFF800  }
0x102: {  	_ =	sfence.sel $0x180000  }
0x103: {  	[bflag:$0x0] =	sbarrier.arrive $0xFFFF  }
0x104: {  	_ =	strace $0x90000047  }
0x105: {  	s0 =	stileid.u32;
	[bflag:$0x2] =	sbarrier.arrive $0xFFFF  }
0x106: {  	p0 =	sne.s32 s0, $0x0;
	s0 =	rddreg [dreg:$0x5]  }
0x107: {  	s0 =	sadd.s32 @!p0 $0x100000, s0  }
0x108: {  	[sflag:s0] =	ssyncadd.tile.s32 @!p0 $0x1;
	_ =	shalt  }
.Lfunc_end2:
_tile_overlayer_lowered:
.L_overlay_start_2:
0x109: {  	(tag) =	ssettag $0x2  }
0x10a: {  	s0 =	rddreg [dreg:$0x0];
	s2 =	stileid.u32  }
0x10b: {  	s1 =	rddreg [dreg:$0x1];
	p0 =	sne.s32 s2, $0x0  }
0x10c: {  	s3 =	rddreg [dreg:$0x2];
	[bflag:$0x3] =	sbarrier.arrive $0xFFFF;
	s2 =	simm.s32 @!p0 $0x1C05  }
0x10d: {  	[timem:s3], [sflag:s2] =	dma.local @!p0 [hbm:s0], s1  }
0x10e: {  	s0 =	simm.s32 @!p0 $0x5  }
0x10f: {  	_ =	swait.ge @!p0 [sflag:s0], s1  }
0x110: {  	s1 =	ssub.s32 @!p0 $0x0, s1;
	[sflag:s0] =	ssyncset.done @!p0 $0x0  }
0x111: {  	[sflag:s0] =	ssyncadd.s32 @!p0 s1  }
0x112: {  	[bflag:$0x3] =	sbarrier.arrive $0xFFFF  }
0x113: {  	_ =	shalt  }

// kernel: kernel.9.cloned.1.call-start
scs
__scs_entry_jumppad:
0x0: {  	(pc) =	sbr.rel $0x88, $3  }
0x1: {  	(tag) =	ssettag $0x0;
	lr =	simm.s32 $0x1  }
0x2: {  	[smem:$0x3F98] =	sst lr;
	_ =	strace $0xD0000000  }
0x3: {  	_ = 	snop  }
0x4: {  	_ = 	snop  }
0x5: {  	_ = 	snop  }
0x6: {  	_ = 	snop  }
0x7: {  	_ = 	snop  }
__scs_overlays_trampoline_lowered:
0x8: {  	[smem:$0x3FA7] =	sst s0  }
0x9: {  	[smem:$0x3FA8] =	sst s1  }
0xa: {  	[smem:$0x3FA9] =	sst s2  }
0xb: {  	[smem:$0x3FAA] =	sst s3  }
0xc: {  	[smem:$0x3FAB] =	sst s4  }
0xd: {  	[smem:$0x3FAC] =	sst s5  }
0xe: {  	[smem:$0x3FAD] =	sst s6  }
0xf: {  	[smem:$0x3FAE] =	sst s7  }
0x10: {  	[smem:$0x3FAF] =	sst s8  }
0x11: {  	[smem:$0x3FB0] =	sst s9;
	s0 =	simm.s32 @!p0 $0x0  }
0x12: {  	s1 =	sld [smem:$0x3F96];
	s0 =	simm.s32 @p0 $0x1  }
0x13: {  	[smem:$0x3FB1] =	sst s0;
	s0 =	simm.s32 @!p1 $0x0  }
0x14: {  	s2 =	sld [smem:$0x3F95];
	s0 =	simm.s32 @p1 $0x1  }
0x15: {  	[smem:$0x3FB2] =	sst s0;
	s0 =	simm.s32 @!p2 $0x0  }
0x16: {  	s3 =	sld [smem:$0x3FDB];
	s0 =	simm.s32 @p2 $0x1  }
0x17: {  	s4 =	simm.s32 $0x1BF5;
	[smem:$0x3FB4] =	sst s0  }
0x18: {  	s0 =	sld [smem:$0x3F97];
	_ =	swait.ge [sflag:s4], $0x0  }
0x19: {  	s7 =	sld [smem:$0x3F98]  }
0x1a: {  	s8 =	sadd.s32 $0xFFFFE003, lr  }
0x1b: {  	s9 =	sadd.s32 $0xFFFFFEF7, lr;
	s5 =	simm.s32 $0xFFFFFFFF;
	p2 =	slt.u32 s8, $0xFFFFF086  }
0x1c: {  	p1 =	slt.u32 s9, $0xF7A;
	s5 =	simm.s32 @!p2 $0x0  }
0x1d: {  	s5 =	simm.s32 @p1 $0x1;
	p0 =	seq.s32 s7, s2  }
0x1e: {  	s7 =	smul.u32 @!p0 $0xF7A, s2;
	p2 =	seq.s32 @!p0 s5, $0x0  }
0x1f: {  	s9 =	smul.u32 $0xF7A, s1;
	s8 =	simm.s32 @!p0 $0x1BF5;
	p2 =	por !p2, p0  }
0x20: {  	[sflag:s8] =	ssyncset.s32 @!p0 $0xFFFFF086;
	s6 =	sadd.s32 @!p0 s3, s7;
	s7 =	simm.s32 @!p0 $0x108  }
0x21: {  	s3 =	sadd.s32 s3, s9;
	s6 =	sadd.s32 @!p0 $0x88, s6;
	s7 =	simm.s32 @p2 $0x1082  }
0x22: {  	[simem:s7], [sflag:s8] =	dma.local @!p0 [hbm:s6], $0xF7A  }
0x23: {  	s9 =	sor.u32 $0xD0000000, s2;
	s6 =	simm.s32 $0x108;
	_ =	swait.ge @!p0 [sflag:s8], $0x0  }
0x24: {  	s3 =	sadd.s32 $0x88, s3;
	s6 =	simm.s32 @!p1 $0x1082;
	[sflag:s4] =	ssyncset.s32 $0xFFFFF086  }
0x25: {  	[simem:s6], [sflag:s4] =	dma.local [hbm:s3], $0xF7A  }
0x26: {  	[smem:$0x3F98] =	sst s1;
	(tag) =	ssettag s2;
	_ =	strace s9  }
0x27: {  	s1 =	sld [smem:$0x3FA8]  }
0x28: {  	s2 =	sld [smem:$0x3FA9]  }
0x29: {  	s4 =	sld [smem:$0x3FAB]  }
0x2a: {  	p0 =	seq.s32 s5, $0x0;
	s5 =	sld [smem:$0x3FAC]  }
0x2b: {  	s6 =	sld [smem:$0x3FAD]  }
0x2c: {  	s7 =	sld [smem:$0x3FAE]  }
0x2d: {  	s3 =	simm.s32 $0x108;
	s8 =	sld [smem:$0x3FAF]  }
0x2e: {  	s3 =	simm.s32 @!p0 $0x1082;
	s9 =	sld [smem:$0x3FB0]  }
0x2f: {  	lr =	sadd.s32 s0, s3;
	s0 =	sld [smem:$0x3FA7]  }
0x30: {  	s3 =	sld [smem:$0x3FAA]  }
0x31: {  	[smem:$0x3FB3] =	sst s10  }
0x32: {  	s10 =	sld [smem:$0x3FB1];
	_ =	sdelay $0x3  }
0x33: {  	p0 =	seq.s32 s10, $0x1;
	s10 =	sld [smem:$0x3FB3];
	_ =	sdelay $0x3  }
0x34: {  	[smem:$0x3FB3] =	sst s10  }
0x35: {  	s10 =	sld [smem:$0x3FB2];
	_ =	sdelay $0x3  }
0x36: {  	p1 =	seq.s32 s10, $0x1;
	s10 =	sld [smem:$0x3FB3];
	_ =	sdelay $0x3  }
0x37: {  	[smem:$0x3FB3] =	sst s10  }
0x38: {  	s10 =	sld [smem:$0x3FB4]  }
0x39: {  	_ = 	snop;
	(pc) =	sbr.ind lr, $3  }
0x3a: {  	_ = 	snop  }
0x3b: {  	_ = 	snop  }
0x3c: {  	p2 =	seq.s32 s10, $0x1;
	s10 =	sld [smem:$0x3FB3]  }
0x3d: {  	_ =	shalt  }
0x3e: {  	_ =	shalt  }
0x3f: {  	_ =	shalt  }
0x40: {  	_ =	shalt  }
0x41: {  	_ =	shalt  }
0x42: {  	_ =	shalt  }
0x43: {  	_ =	shalt  }
0x44: {  	_ =	shalt  }
0x45: {  	_ =	shalt  }
0x46: {  	_ =	shalt  }
0x47: {  	_ =	shalt  }
0x48: {  	_ =	shalt  }
0x49: {  	_ =	shalt  }
0x4a: {  	_ =	shalt  }
0x4b: {  	_ =	shalt  }
0x4c: {  	_ =	shalt  }
0x4d: {  	_ =	shalt  }
0x4e: {  	_ =	shalt  }
0x4f: {  	_ =	shalt  }
0x50: {  	_ =	shalt  }
0x51: {  	_ =	shalt  }
0x52: {  	_ =	shalt  }
0x53: {  	_ =	shalt  }
0x54: {  	_ =	shalt  }
0x55: {  	_ =	shalt  }
0x56: {  	_ =	shalt  }
0x57: {  	_ =	shalt  }
0x58: {  	_ =	shalt  }
0x59: {  	_ =	shalt  }
0x5a: {  	_ =	shalt  }
0x5b: {  	_ =	shalt  }
0x5c: {  	_ =	shalt  }
0x5d: {  	_ =	shalt  }
0x5e: {  	_ =	shalt  }
0x5f: {  	_ =	shalt  }
0x60: {  	_ =	shalt  }
0x61: {  	_ =	shalt  }
0x62: {  	_ =	shalt  }
0x63: {  	_ =	shalt  }
0x64: {  	_ =	shalt  }
0x65: {  	_ =	shalt  }
0x66: {  	_ =	shalt  }
0x67: {  	_ =	shalt  }
0x68: {  	_ =	shalt  }
0x69: {  	_ =	shalt  }
0x6a: {  	_ =	shalt  }
0x6b: {  	_ =	shalt  }
0x6c: {  	_ =	shalt  }
0x6d: {  	_ =	shalt  }
0x6e: {  	_ =	shalt  }
0x6f: {  	_ =	shalt  }
0x70: {  	_ =	shalt  }
0x71: {  	_ =	shalt  }
0x72: {  	_ =	shalt  }
0x73: {  	_ =	shalt  }
0x74: {  	_ =	shalt  }
0x75: {  	_ =	shalt  }
0x76: {  	_ =	shalt  }
0x77: {  	_ =	shalt  }
0x78: {  	_ =	shalt  }
0x79: {  	_ =	shalt  }
0x7a: {  	_ =	shalt  }
0x7b: {  	_ =	shalt  }
0x7c: {  	_ =	shalt  }
0x7d: {  	_ =	shalt  }
0x7e: {  	_ =	shalt  }
0x7f: {  	_ =	shalt  }
0x80: {  	_ =	shalt  }
0x81: {  	_ =	shalt  }
0x82: {  	_ =	shalt  }
0x83: {  	_ =	shalt  }
0x84: {  	_ =	shalt  }
0x85: {  	_ =	shalt  }
0x86: {  	_ =	shalt  }
0x87: {  	_ =	shalt  }
.Lfunc_end0:
.L_simem_size_0:
called_computation.1_lowered:
.L_overlay_start_0:
0x88: {  	s2 =	sld [smem:$0x3FD9]  }
0x89: {  	s3 =	sld [smem:$0x3FFE];
	_ =	sdelay $0x1  }
0x8a: {  	s1 =	srdreg.scid  }
0x8b: {  	s0 =	sand.u32 $0x1, s1  }
0x8c: {  	s17 =	sshll.u32 s0, $0xA;
	s2 =	sadd.s32 s3, s2  }
0x8d: {  	s2 =	sadd.s32 s2, s17  }
0x8e: {  	[smem:$0x3FBF] =	sst s2  }
0x8f: {  	_ = 	snop  }
0x90: {  	s2 =	sld [smem:$0x3FD0];
	(tm) =	ssettm $0x1  }
0x91: {  	s18 =	sld [smem:$0x3FFB];
	_ =	sdelay $0x3  }
0x92: {  	_ =	strace s18  }
0x93: {  	s3 =	sld [smem:$0x3FFC];
	_ =	sdelay $0x3  }
0x94: {  	_ =	strace s3  }
0x95: {  	s3 =	sld [smem:$0x3FFD];
	_ =	sdelay $0x3  }
0x96: {  	_ =	strace s3  }
0x97: {  	_ =	strace $0x8FFFFFFF  }
0x98: {  	s19 =	sld [smem:$0x3FDB];
	_ =	sdelay $0x1  }
0x99: {  	s4 =	simm.s32 $_scs_section_size  }
0x9a: {  	s5 =	simm.s32 $_size__tile_overlayer_lowered;
	s6 =	simm.s32 $_tile_overlayer_lowered  }
0x9b: {  	s22 =	simm.s32 $0x1BFF;
	s21 =	sshll.u32 s6, $0x1;
	s3 =	sadd.s32 s4, s19  }
0x9c: {  	s7 =	simm.s32 $0x0;
	s20 =	sshll.u32 s5, $0x1;
	s5 =	sadd.s32 s21, s3  }
0x9d: {  	[timem:s7], [sflag:s22] =	dma.local [hbm:s5], s20  }
0x9e: {  	_ =	swait.ge [sflag:s22], s20  }
0x9f: {  	s4 =	ssub.s32 $0x0, s20;
	[sflag:s22] =	ssyncset.done $0x0  }
0xa0: {  	[sflag:s22] =	ssyncadd.s32 s4;
	_ =	sdelay $0x1  }
0xa1: {  	s23 =	simm.s32 $0x1B8B  }
0xa2: {  	_ =	swait.ge [sflag:s23], $0x1  }
0xa3: {  	[sflag:s23] =	ssyncset.done $0x0  }
0xa4: {  	s25 =	simm.s32 $0x1B8E;
	s24 =	sld [smem:$0x3FFE];
	[sflag:s23] =	ssyncadd.s32 $0xFFFFFFFF  }
0xa5: {  	s26 =	simm.s32 $execute0_lowered;
	[smem:$0x3FD2] =	sst s25  }
0xa6: {  	s5 =	sshll.u32 s26, $0x1;
	_ =	strace $0x80000049;
	[dreg:$0x1] =	wrdreg $0xFFFFFFFF  }
0xa7: {  	s28 =	simm.s32 $_size_execute0_lowered;
	s3 =	sadd.s32 s3, s5;
	[dreg:$0x0] =	wrdreg $0x0  }
0xa8: {  	s5 =	sshll.u32 s28, $0x1;
	[dreg:$0x2] =	wrdreg s3  }
0xa9: {  	[dreg:$0x3] =	wrdreg s5  }
0xaa: {  	[dreg:$0x4] =	wrdreg $0xC0  }
0xab: {  	_ =	task [dreg:s7], $0x5FFFF  }
0xac: {  	[dreg:$0x1] =	wrdreg $0xFFFFFFFF  }
0xad: {  	[dreg:$0x0] =	wrdreg $0x60  }
0xae: {  	[dreg:$0x2] =	wrdreg s24  }
0xaf: {  	[dreg:$0x3] =	wrdreg s2  }
0xb0: {  	[dreg:$0x4] =	wrdreg $0x4C000  }
0xb1: {  	[dreg:$0x5] =	wrdreg $0x6C000  }
0xb2: {  	[dreg:$0x6] =	wrdreg $0x9  }
0xb3: {  	_ =	task.clear_ibuf [dreg:s7], $0x7FFFF;
	_ =	strace $0x90000049  }
0xb4: {  	s29 =	simm.s32 $0x9;
	_ =	strace $0x8000004B  }
0xb5: {  	_ =	swait.ge [sflag:s29], $0x1  }
0xb6: {  	[sflag:s29] =	ssyncadd.s32 $0xFFFFFFFF  }
0xb7: {  	_ =	strace $0x9000004B  }
0xb8: {  	_ =	sfence  }
0xb9: {  	s30 =	sld [smem:$0x0];
	_ =	sdelay $0x2  }
0xba: {  	s31 =	sshll.u32 s1, $0xD;
	s1 =	sshrl.u32 s1, $0x2  }
0xbb: {  	s3 =	sand.u32 $0x4000, s31;
	s1 =	sadd.s32 s1, s30  }
0xbc: {  	s0 =	sor.u32 s3, s0;
	s1 =	sshll.u32 s1, $0x11  }
0xbd: {  	s0 =	sor.u32 s1, s0  }
0xbe: {  	s0 =	sadd.s32 $0x8F2B, s0  }
0xbf: {  	[sflag:s0] =	ssyncadd.remote.s32 $0x1  }
0xc0: {  	_ =	sfence.sel $0xFFFF  }
0xc1: {  	[dreg:$0x0] =	wrdreg $0xFFFFFFFF;
	(pc) =	sbr.abs _section_cstart, $3  }
0xc2: {  	[dreg:$0x1] =	wrdreg $0xFFFFFFFF  }
0xc3: {  	_ =	task.clear_ibuf [dreg:s7], $0x2FFFF;
	_ =	strace $0x9FFFFFFF  }
0xc4: {  	(tm) =	ssettm $0x7FFFFFFF  }
0xc5: {  	_ =	shalt  }
tec
execute0_lowered:
.L_overlay_start_1:
0x0: {  	(tag) =	ssettag $0x1  }
0x1: {  	s25 =	rddreg [dreg:$0x0];
	s1 =	srdreg.scid  }
0x2: {  	s26 =	rddreg [dreg:$0x1];
	s0 =	stileid.u32;
	s29 =	sand.u32 $0x1, s1  }
0x3: {  	s2 =	rddreg [dreg:$0x2];
	s28 =	sshll.u32 s0, $0xA;
	s1 =	sshll.u32 s29, $0x9  }
0x4: {  	s3 =	rddreg [dreg:$0x3];
	s4 =	simm.s32 $0x0;
	s5 =	sor.u32 s1, s28  }
0x5: {  	[smem:$0x7FF] =	sst s4;
	s5 =	sshrl.u32 s5, $0x3  }
0x6: {  	s1 =	rddreg [dreg:$0x4];
	s7 =	sadd.s32 s5, s25  }
0x7: {  	_ =	strace $0x8000004A;
	s5 =	simm.s32 $0x2;
	s6 =	sadd.s32 $0x63A00, s7  }
0x8: {  	[tilespmem:s4], [sflag:$0x2] =	stream.linear.gather [hbm4b:s6+s4], $0x200, $0x38;
	[tilespmem:$0x7000] =	vst v63  }
0x9: {  	_ =	swait.ge [sflag:s5], $0x200  }
0xa: {  	[sflag:s5] =	ssyncset.done $0x0  }
0xb: {  	s8 =	simm.s32 $0x200;
	s7 =	sadd.s32 $0x63200, s7;
	[sflag:s5] =	ssyncadd.s32 $0xFFFFFE00  }
0xc: {  	[tilespmem:s8], [sflag:$0x2] =	stream.linear.gather [hbm4b:s7+s4], $0x200, $0x38;
	[tilespmem:$0x7000] =	vst v63  }
0xd: {  	_ =	swait.ge [sflag:s5], $0x200  }
0xe: {  	[sflag:s5] =	ssyncset.done $0x0  }
0xf: {  	s10 =	simm.s32 $0x4400;
	s9 =	sadd.s32 $0x12800, s25;
	[sflag:s5] =	ssyncadd.s32 $0xFFFFFE00  }
0x10: {  	[tilespmem:s10], [sflag:$0x2] =	stream.linear.gather [hbm4b:s9+s4], $0x800, $0x38;
	[tilespmem:$0x7000] =	vst v63  }
0x11: {  	s11 =	sadd.s32 $0x2800, s25;
	s30 =	sshll.u32 s0, $0xD;
	_ =	swait.ge [sflag:s5], $0x800  }
0x12: {  	s12 =	sshll.u32 s0, $0x6;
	s13 =	sadd.s32 s30, s2;
	[sflag:s5] =	ssyncset.done $0x0  }
0x13: {  	s12 =	sor.u32 $0x1C02, s12;
	s13 =	sshrl.u32 s13, $0x3;
	[sflag:s5] =	ssyncadd.s32 $0xFFFFF800  }
0x14: {  	[spmem:s13], [sflag:s12] =	dma.local [hbm:s11], $0x400  }
0x15: {  	_ =	swait.ge [sflag:s5], $0x400  }
0x16: {  	s15 =	sadd.s32 s28, s3;
	[sflag:s5] =	ssyncset.done $0x0  }
0x17: {  	s14 =	sadd.s32 $0x2C00, s25;
	s15 =	sshrl.u32 s15, $0x3;
	[sflag:s5] =	ssyncadd.s32 $0xFFFFFC00  }
0x18: {  	[spmem:s15], [sflag:s12] =	dma.local [hbm:s14], $0x80  }
0x19: {  	_ =	swait.ge [sflag:s5], $0x80  }
0x1a: {  	[sflag:s5] =	ssyncset.done $0x0  }
0x1b: {  	s17 =	simm.s32 $0x80;
	s18 =	simm.s32 $0x400;
	[sflag:s5] =	ssyncadd.s32 $0xFFFFFF80  }
0x1c: {  	s19 =	simm.s32 $0x1;
	s16 =	sadd.s32 $0x12A00, s25;
	[bflag:$0x0] =	sbarrier.arrive $0xFFFF  }
0x1d: {  	[tilespmem:s18], [sflag:$0x1] =	stream.indirect.gather [hbm4b:s16+s17], $0x80, s4, s17, $0xb8;
	[tilespmem:$0x7000] =	vst v63  }
0x1e: {  	_ =	swait.ge [sflag:s19], $0x4000  }
0x1f: {  	[sflag:s19] =	ssyncset.done $0x0  }
0x20: {  	[sflag:s19] =	ssyncadd.s32 $0xFFFFC000  }
0x21: {  	[spmem:s2] =	stream.indirect.scatter.add.f32 [tilespmem:s18], [sflag:$0x2], $0x80, s8, s17, $0xb8;
	[tilespmem:$0x7000] =	vst v63  }
0x22: {  	_ =	swait.ge [sflag:s5], $0x4000  }
0x23: {  	[sflag:s5] =	ssyncset.done $0x0  }
0x24: {  	[sflag:s5] =	ssyncadd.s32 $0xFFFFC000  }
0x25: {  	[spmem:s3] =	stream.indirect.scatter.add.f32 [tilespmem:s10], [sflag:$0x2], $0x10, s8, s17, $0xb8;
	[tilespmem:$0x7000] =	vst v63  }
0x26: {  	_ =	swait.ge [sflag:s5], $0x800  }
0x27: {  	[sflag:s5] =	ssyncset.done $0x0  }
0x28: {  	[sflag:s5] =	ssyncadd.s32 $0xFFFFF800  }
0x29: {  	[tilespmem:s18], [sflag:$0x1] =	stream.indirect.gather [hbm4b:s16+s17], $0x80, s17, s17, $0xb8;
	[tilespmem:$0x7000] =	vst v63  }
0x2a: {  	_ =	swait.ge [sflag:s19], $0x4000  }
0x2b: {  	[sflag:s19] =	ssyncset.done $0x0  }
0x2c: {  	s20 =	simm.s32 $0x280;
	[sflag:s19] =	ssyncadd.s32 $0xFFFFC000  }
0x2d: {  	[spmem:s2] =	stream.indirect.scatter.add.f32 [tilespmem:s18], [sflag:$0x2], $0x80, s20, s17, $0xb8;
	[tilespmem:$0x7000] =	vst v63  }
0x2e: {  	_ =	swait.ge [sflag:s5], $0x4000  }
0x2f: {  	[sflag:s5] =	ssyncset.done $0x0  }
0x30: {  	[sflag:s5] =	ssyncadd.s32 $0xFFFFC000  }
0x31: {  	[spmem:s3] =	stream.indirect.scatter.add.f32 [tilespmem:s10], [sflag:$0x2], $0x10, s20, s17, $0xb8;
	[tilespmem:$0x7000] =	vst v63  }
0x32: {  	_ =	swait.ge [sflag:s5], $0x800  }
0x33: {  	[sflag:s5] =	ssyncset.done $0x0  }
0x34: {  	s21 =	simm.s32 $0x100;
	[sflag:s5] =	ssyncadd.s32 $0xFFFFF800  }
0x35: {  	[tilespmem:s18], [sflag:$0x1] =	stream.indirect.gather [hbm4b:s16+s17], $0x80, s21, s17, $0xb8;
	[tilespmem:$0x7000] =	vst v63  }
0x36: {  	_ =	swait.ge [sflag:s19], $0x4000  }
0x37: {  	[sflag:s19] =	ssyncset.done $0x0  }
0x38: {  	s22 =	simm.s32 $0x300;
	[sflag:s19] =	ssyncadd.s32 $0xFFFFC000  }
0x39: {  	[spmem:s2] =	stream.indirect.scatter.add.f32 [tilespmem:s18], [sflag:$0x2], $0x80, s22, s17, $0xb8;
	[tilespmem:$0x7000] =	vst v63  }
0x3a: {  	_ =	swait.ge [sflag:s5], $0x4000  }
0x3b: {  	[sflag:s5] =	ssyncset.done $0x0  }
0x3c: {  	[sflag:s5] =	ssyncadd.s32 $0xFFFFC000  }
0x3d: {  	[spmem:s3] =	stream.indirect.scatter.add.f32 [tilespmem:s10], [sflag:$0x2], $0x10, s22, s17, $0xb8;
	[tilespmem:$0x7000] =	vst v63  }
0x3e: {  	_ =	swait.ge [sflag:s5], $0x800  }
0x3f: {  	[sflag:s5] =	ssyncset.done $0x0  }
0x40: {  	s23 =	simm.s32 $0x180;
	[sflag:s5] =	ssyncadd.s32 $0xFFFFF800  }
0x41: {  	[tilespmem:s18], [sflag:$0x1] =	stream.indirect.gather [hbm4b:s16+s17], $0x80, s23, s17, $0xb8;
	[tilespmem:$0x7000] =	vst v63  }
0x42: {  	_ =	swait.ge [sflag:s19], $0x4000  }
0x43: {  	[sflag:s19] =	ssyncset.done $0x0  }
0x44: {  	s24 =	simm.s32 $0x380;
	s31 =	sshll.u32 s29, $0x11;
	[sflag:s19] =	ssyncadd.s32 $0xFFFFC000  }
0x45: {  	[spmem:s2] =	stream.indirect.scatter.add.f32 [tilespmem:s18], [sflag:$0x2], $0x80, s24, s17, $0xb8;
	[tilespmem:$0x7000] =	vst v63  }
0x46: {  	s30 =	sor.u32 s30, s31;
	_ =	swait.ge [sflag:s5], $0x4000  }
0x47: {  	s30 =	sshrl.u32 s30, $0x3;
	[sflag:s5] =	ssyncset.done $0x0  }
0x48: {  	s25 =	sadd.s32 s30, s25;
	s30 =	ssub.s32 $0x2, s29;
	[sflag:s5] =	ssyncadd.s32 $0xFFFFC000  }
0x49: {  	[spmem:s3] =	stream.indirect.scatter.add.f32 [tilespmem:s10], [sflag:$0x2], $0x10, s24, s17, $0xb8;
	[tilespmem:$0x7000] =	vst v63  }
0x4a: {  	s29 =	sshll.u32 s29, $0xE;
	s25 =	sadd.s32 $0x2E00, s25;
	_ =	swait.ge [sflag:s5], $0x800  }
0x4b: {  	s28 =	sor.u32 s28, s29;
	s31 =	sshrl.u32 s30, $0x1;
	[sflag:s5] =	ssyncset.done $0x0  }
0x4c: {  	s29 =	ssub.s32 s30, s31;
	s28 =	sshrl.u32 s28, $0x3;
	[sflag:s5] =	ssyncadd.s32 $0xFFFFF800  }
0x4d: {  	s26 =	sadd.s32 s26, s28;
	s28 =	smax.u32 s29, $0x1;
	[bflag:$0x0] =	sbarrier.arrive $0xFFFF  }
0x4e: {  	[hbm:s25], [sflag:s12] =	dma.local [spmem:s13], $0x400  }
0x4f: {  	p0 =	sne.s32 s28, $0x1;
	_ =	swait.ge [sflag:s5], $0x400  }
.Ltmp0:
0x50: {  	[sflag:s5] =	ssyncset.done $0x0;
	(pc) =	sbr.rel @!p0 .LBB2_2-.Ltmp0, $4  }
0x51: {  	[sflag:s5] =	ssyncadd.s32 $0xFFFFFC00  }
0x52: {  	[hbm:s26], [sflag:s12] =	dma.local [spmem:s15], $0x80  }
0x53: {  	_ =	swait.ge [sflag:s5], $0x80  }
0x54: {  	s28 =	sadd.s32 $0xFFFFFFFF, s28;
	[sflag:s5] =	ssyncset.done $0x0  }
.LBB2_1:
0x55: {  	p0 =	sne.s32 s28, $0x1;
	s28 =	sadd.s32 $0xFFFFFFFF, s28;
	[sflag:s5] =	ssyncadd.s32 $0xFFFFFF80  }
0x56: {  	[tilespmem:s4], [sflag:$0x2] =	stream.linear.gather [hbm4b:s6+s4], $0x200, $0x38;
	[tilespmem:$0x7000] =	vst v63  }
0x57: {  	_ =	swait.ge [sflag:s5], $0x200  }
0x58: {  	[sflag:s5] =	ssyncset.done $0x0  }
0x59: {  	[sflag:s5] =	ssyncadd.s32 $0xFFFFFE00  }
0x5a: {  	[tilespmem:s8], [sflag:$0x2] =	stream.linear.gather [hbm4b:s7+s4], $0x200, $0x38;
	[tilespmem:$0x7000] =	vst v63  }
0x5b: {  	_ =	swait.ge [sflag:s5], $0x200  }
0x5c: {  	[sflag:s5] =	ssyncset.done $0x0  }
0x5d: {  	[sflag:s5] =	ssyncadd.s32 $0xFFFFFE00  }
0x5e: {  	[tilespmem:s10], [sflag:$0x2] =	stream.linear.gather [hbm4b:s9+s4], $0x800, $0x38;
	[tilespmem:$0x7000] =	vst v63  }
0x5f: {  	_ =	swait.ge [sflag:s5], $0x800  }
0x60: {  	[sflag:s5] =	ssyncset.done $0x0  }
0x61: {  	[sflag:s5] =	ssyncadd.s32 $0xFFFFF800  }
0x62: {  	[spmem:s13], [sflag:s12] =	dma.local [hbm:s11], $0x400  }
0x63: {  	_ =	swait.ge [sflag:s5], $0x400  }
0x64: {  	[sflag:s5] =	ssyncset.done $0x0  }
0x65: {  	[sflag:s5] =	ssyncadd.s32 $0xFFFFFC00  }
0x66: {  	[spmem:s15], [sflag:s12] =	dma.local [hbm:s14], $0x80  }
0x67: {  	_ =	swait.ge [sflag:s5], $0x80  }
0x68: {  	[sflag:s5] =	ssyncset.done $0x0  }
0x69: {  	[sflag:s5] =	ssyncadd.s32 $0xFFFFFF80  }
0x6a: {  	[bflag:$0x0] =	sbarrier.arrive $0xFFFF  }
0x6b: {  	[tilespmem:s18], [sflag:$0x1] =	stream.indirect.gather [hbm4b:s16+s17], $0x80, s4, s17, $0xb8;
	[tilespmem:$0x7000] =	vst v63  }
0x6c: {  	_ =	swait.ge [sflag:s19], $0x4000  }
0x6d: {  	[sflag:s19] =	ssyncset.done $0x0  }
0x6e: {  	[sflag:s19] =	ssyncadd.s32 $0xFFFFC000  }
0x6f: {  	[spmem:s2] =	stream.indirect.scatter.add.f32 [tilespmem:s18], [sflag:$0x2], $0x80, s8, s17, $0xb8;
	[tilespmem:$0x7000] =	vst v63  }
0x70: {  	_ =	swait.ge [sflag:s5], $0x4000  }
0x71: {  	[sflag:s5] =	ssyncset.done $0x0  }
0x72: {  	[sflag:s5] =	ssyncadd.s32 $0xFFFFC000  }
0x73: {  	[spmem:s3] =	stream.indirect.scatter.add.f32 [tilespmem:s10], [sflag:$0x2], $0x10, s8, s17, $0xb8;
	[tilespmem:$0x7000] =	vst v63  }
0x74: {  	_ =	swait.ge [sflag:s5], $0x800  }
0x75: {  	[sflag:s5] =	ssyncset.done $0x0  }
0x76: {  	[sflag:s5] =	ssyncadd.s32 $0xFFFFF800  }
0x77: {  	[tilespmem:s18], [sflag:$0x1] =	stream.indirect.gather [hbm4b:s16+s17], $0x80, s17, s17, $0xb8;
	[tilespmem:$0x7000] =	vst v63  }
0x78: {  	_ =	swait.ge [sflag:s19], $0x4000  }
0x79: {  	[sflag:s19] =	ssyncset.done $0x0  }
0x7a: {  	[sflag:s19] =	ssyncadd.s32 $0xFFFFC000  }
0x7b: {  	[spmem:s2] =	stream.indirect.scatter.add.f32 [tilespmem:s18], [sflag:$0x2], $0x80, s20, s17, $0xb8;
	[tilespmem:$0x7000] =	vst v63  }
0x7c: {  	_ =	swait.ge [sflag:s5], $0x4000  }
0x7d: {  	[sflag:s5] =	ssyncset.done $0x0  }
0x7e: {  	[sflag:s5] =	ssyncadd.s32 $0xFFFFC000  }
0x7f: {  	[spmem:s3] =	stream.indirect.scatter.add.f32 [tilespmem:s10], [sflag:$0x2], $0x10, s20, s17, $0xb8;
	[tilespmem:$0x7000] =	vst v63  }
0x80: {  	_ =	swait.ge [sflag:s5], $0x800  }
0x81: {  	[sflag:s5] =	ssyncset.done $0x0  }
0x82: {  	[sflag:s5] =	ssyncadd.s32 $0xFFFFF800  }
0x83: {  	[tilespmem:s18], [sflag:$0x1] =	stream.indirect.gather [hbm4b:s16+s17], $0x80, s21, s17, $0xb8;
	[tilespmem:$0x7000] =	vst v63  }
0x84: {  	_ =	swait.ge [sflag:s19], $0x4000  }
0x85: {  	[sflag:s19] =	ssyncset.done $0x0  }
0x86: {  	[sflag:s19] =	ssyncadd.s32 $0xFFFFC000  }
0x87: {  	[spmem:s2] =	stream.indirect.scatter.add.f32 [tilespmem:s18], [sflag:$0x2], $0x80, s22, s17, $0xb8;
	[tilespmem:$0x7000] =	vst v63  }
0x88: {  	_ =	swait.ge [sflag:s5], $0x4000  }
0x89: {  	[sflag:s5] =	ssyncset.done $0x0  }
0x8a: {  	[sflag:s5] =	ssyncadd.s32 $0xFFFFC000  }
0x8b: {  	[spmem:s3] =	stream.indirect.scatter.add.f32 [tilespmem:s10], [sflag:$0x2], $0x10, s22, s17, $0xb8;
	[tilespmem:$0x7000] =	vst v63  }
0x8c: {  	_ =	swait.ge [sflag:s5], $0x800  }
0x8d: {  	[sflag:s5] =	ssyncset.done $0x0  }
0x8e: {  	[sflag:s5] =	ssyncadd.s32 $0xFFFFF800  }
0x8f: {  	[tilespmem:s18], [sflag:$0x1] =	stream.indirect.gather [hbm4b:s16+s17], $0x80, s23, s17, $0xb8;
	[tilespmem:$0x7000] =	vst v63  }
0x90: {  	_ =	swait.ge [sflag:s19], $0x4000  }
0x91: {  	[sflag:s19] =	ssyncset.done $0x0  }
0x92: {  	[sflag:s19] =	ssyncadd.s32 $0xFFFFC000  }
0x93: {  	[spmem:s2] =	stream.indirect.scatter.add.f32 [tilespmem:s18], [sflag:$0x2], $0x80, s24, s17, $0xb8;
	[tilespmem:$0x7000] =	vst v63  }
0x94: {  	_ =	swait.ge [sflag:s5], $0x4000  }
0x95: {  	[sflag:s5] =	ssyncset.done $0x0  }
0x96: {  	[sflag:s5] =	ssyncadd.s32 $0xFFFFC000  }
0x97: {  	[spmem:s3] =	stream.indirect.scatter.add.f32 [tilespmem:s10], [sflag:$0x2], $0x10, s24, s17, $0xb8;
	[tilespmem:$0x7000] =	vst v63  }
0x98: {  	_ =	swait.ge [sflag:s5], $0x800  }
0x99: {  	[sflag:s5] =	ssyncset.done $0x0  }
0x9a: {  	[sflag:s5] =	ssyncadd.s32 $0xFFFFF800  }
0x9b: {  	[bflag:$0x0] =	sbarrier.arrive $0xFFFF  }
0x9c: {  	[hbm:s25], [sflag:s12] =	dma.local [spmem:s13], $0x400  }
0x9d: {  	_ =	swait.ge [sflag:s5], $0x400  }
.Ltmp1:
0x9e: {  	[sflag:s5] =	ssyncset.done $0x0;
	(pc) =	sbr.rel @p0 .LBB2_1-.Ltmp1, $4  }
0x9f: {  	[sflag:s5] =	ssyncadd.s32 $0xFFFFFC00  }
0xa0: {  	[hbm:s26], [sflag:s12] =	dma.local [spmem:s15], $0x80  }
0xa1: {  	_ =	swait.ge [sflag:s5], $0x80  }
0xa2: {  	[sflag:s5] =	ssyncset.done $0x0  }
.LBB2_2:
0xa3: {  	[sflag:s5] =	ssyncadd.s32 $0xFFFFFF80  }
0xa4: {  	_ =	sfence.sel $0x180000  }
0xa5: {  	[bflag:$0x0] =	sbarrier.arrive $0xFFFF  }
0xa6: {  	p0 =	sne.s32 s0, $0x0;
	_ =	strace $0x9000004A  }
0xa7: {  	s0 =	sadd.s32 @!p0 $0x100000, s1;
	[bflag:$0x2] =	sbarrier.arrive $0xFFFF  }
0xa8: {  	[sflag:s0] =	ssyncadd.tile.s32 @!p0 $0x1;
	_ =	shalt  }
.Lfunc_end2:
_tile_overlayer_lowered:
.L_overlay_start_2:
0xa9: {  	(tag) =	ssettag $0x2  }
0xaa: {  	s0 =	rddreg [dreg:$0x0];
	s2 =	stileid.u32  }
0xab: {  	s1 =	rddreg [dreg:$0x1];
	p0 =	sne.s32 s2, $0x0  }
0xac: {  	s3 =	rddreg [dreg:$0x2];
	[bflag:$0x3] =	sbarrier.arrive $0xFFFF;
	s2 =	simm.s32 @!p0 $0x1C02  }
0xad: {  	[timem:s3], [sflag:s2] =	dma.local @!p0 [hbm:s0], s1  }
0xae: {  	s0 =	simm.s32 @!p0 $0x2  }
0xaf: {  	_ =	swait.ge @!p0 [sflag:s0], s1  }
0xb0: {  	s1 =	ssub.s32 @!p0 $0x0, s1;
	[sflag:s0] =	ssyncset.done @!p0 $0x0  }
0xb1: {  	[sflag:s0] =	ssyncadd.s32 @!p0 s1  }
0xb2: {  	[bflag:$0x3] =	sbarrier.arrive $0xFFFF  }
0xb3: {  	_ =	shalt  }

</sc_bundles>
